<compile_context>
chip_gen: v7x
topology: tpu7x:2x2x1
jax: 0.10.2.dev20260603
libtpu: 0.0.44.dev20260713+nightly
codegen_flags: <defaults>
</compile_context>

<pallas_src>
import functools

import jax
import jax.numpy as jnp
from jax import lax
from jax.experimental import pallas as pl
from jax.experimental.pallas import tpu as pltpu
from jax.experimental.pallas import tpu_sc as plsc

_TOPK = 8
_M_BLK = 2048
_NRG = 2

_NEG = float("-inf")
_SENT = -2.0
_BIGF = 1e9


def _topk_body(q_ref, k_ref, out_ref, qn_ref, rv_ref, ri_ref, sm_ref):
    i = pl.program_id(0)
    nt = pl.num_programs(0)
    b = q_ref.shape[0]
    mb = k_ref.shape[0]

    @pl.when(i == 0)
    def _init():
        q = q_ref[...]
        qnorm = jnp.sqrt(jnp.sum(q * q, axis=1, keepdims=True))
        qn_ref[...] = q / jnp.maximum(qnorm, 1e-12)
        rv_ref[...] = jnp.full((b, _TOPK), _NEG, jnp.float32)
        ri_ref[...] = jnp.zeros((b, _TOPK), jnp.int32)

    kk = k_ref[...]
    knorm = jnp.sqrt(jnp.sum(kk * kk, axis=1, keepdims=True))
    kn = kk / jnp.maximum(knorm, 1e-12)
    s = lax.dot_general(qn_ref[...], kn, (((1,), (1,)), ((), ())),
                        preferred_element_type=jnp.float32)
    sm_ref[...] = s
    rg = b // _NRG
    lidx = lax.broadcasted_iota(jnp.int32, (rg, mb), 1).astype(jnp.float32)
    li = lax.broadcasted_iota(jnp.int32, (rg, _TOPK), 1)

    def cond(c):
        j, go, _mv = c
        return jnp.logical_and(j < _TOPK, go)

    for g in range(_NRG):
        rs = pl.ds(g * rg, rg)
        mv0 = jnp.max(s[g * rg:(g + 1) * rg, :], axis=1, keepdims=True)
        go0 = jnp.max(mv0 - rv_ref[rs, 7:8]) > 0

        def body(c, rs=rs):
            j, _go, mv = c
            smc = sm_ref[rs, :]
            rv = rv_ref[rs, :]
            ri = ri_ref[rs, :]
            im = jnp.min(jnp.where(smc == mv, lidx, _BIGF),
                         axis=1, keepdims=True)
            smc = jnp.where(lidx == im, _SENT, smc)
            sm_ref[rs, :] = smc
            mv_next = jnp.max(smc, axis=1, keepdims=True)
            gim = im.astype(jnp.int32) + i * mb
            pos = jnp.sum((rv >= mv).astype(jnp.int32), axis=1,
                          keepdims=True)
            rv_sh = jnp.concatenate([rv[:, :1], rv[:, :-1]], axis=1)
            ri_sh = jnp.concatenate([ri[:, :1], ri[:, :-1]], axis=1)
            rv = jnp.where(li < pos, rv, jnp.where(li == pos, mv, rv_sh))
            ri = jnp.where(li < pos, ri, jnp.where(li == pos, gim, ri_sh))
            rv_ref[rs, :] = rv
            ri_ref[rs, :] = ri
            go = jnp.max(mv_next - rv[:, 7:8]) > 0
            return (j + 1, go, mv_next)

        lax.while_loop(cond, body, (0, go0, mv0))

    @pl.when(i == nt - 1)
    def _flush():
        out_ref[...] = ri_ref[...]


def _topk_idx(query, memory_keys):
    b, d = query.shape
    cap = memory_keys.shape[0]
    mb = min(_M_BLK, cap)
    nt = cap // mb
    return pl.pallas_call(
        _topk_body,
        grid=(nt,),
        in_specs=[
            pl.BlockSpec((b, d), lambda i: (0, 0)),
            pl.BlockSpec((mb, d), lambda i: (i, 0)),
        ],
        out_specs=pl.BlockSpec((b, _TOPK), lambda i: (0, 0)),
        out_shape=jax.ShapeDtypeStruct((b, _TOPK), jnp.int32),
        scratch_shapes=[
            pltpu.VMEM((b, d), jnp.float32),
            pltpu.VMEM((b, _TOPK), jnp.float32),
            pltpu.VMEM((b, _TOPK), jnp.int32),
            pltpu.VMEM((b, mb), jnp.float32),
        ],
        compiler_params=pltpu.CompilerParams(
            dimension_semantics=("arbitrary",)),
    )(query, memory_keys)


def _sc_gather(memory_keys, memory_values, idx_flat):
    n = idx_flat.shape[0]
    d = memory_keys.shape[1]
    nw = 32
    rows_pw = n // nw
    ch = 32
    nch = rows_pw // ch
    mesh = plsc.VectorSubcoreMesh(core_axis_name="c", subcore_axis_name="s")

    @functools.partial(
        pl.kernel,
        mesh=mesh,
        out_type=[
            jax.ShapeDtypeStruct((n, d), jnp.float32),
            jax.ShapeDtypeStruct((n, d), jnp.float32),
        ],
        scratch_types=[
            pltpu.VMEM((rows_pw,), jnp.int32),
            pltpu.VMEM((2, ch, d), jnp.float32),
            pltpu.VMEM((2, ch, d), jnp.float32),
            pltpu.SemaphoreType.DMA,
            pltpu.SemaphoreType.DMA,
            pltpu.SemaphoreType.DMA,
            pltpu.SemaphoreType.DMA,
        ],
    )
    def gk(keys_hbm, values_hbm, idx_hbm, outk_hbm, outv_hbm,
           idx_v, bufk, bufv, semk0, semv0, semk1, semv1):
        wid = lax.axis_index("s") * 2 + lax.axis_index("c")
        base = wid * rows_pw
        pltpu.sync_copy(idx_hbm.at[pl.ds(base, rows_pw)], idx_v)
        semk = (semk0, semk1)
        semv = (semv0, semv1)
        pend = [None] * 2
        for c in range(nch + 1):
            p = c % 2
            if c < nch:
                isl = idx_v.at[pl.ds(c * ch, ch)]
                cpk = pltpu.async_copy(keys_hbm.at[isl], bufk.at[p], semk[p])
                cpv = pltpu.async_copy(values_hbm.at[isl], bufv.at[p],
                                       semv[p])
                pend[p] = (cpk, cpv)
            if c >= 1:
                q = (c - 1) % 2
                cpk, cpv = pend[q]
                cpk.wait()
                cpv.wait()
                off = base + (c - 1) * ch
                pltpu.sync_copy(bufk.at[q], outk_hbm.at[pl.ds(off, ch)])
                pltpu.sync_copy(bufv.at[q], outv_hbm.at[pl.ds(off, ch)])

    return gk(memory_keys, memory_values, idx_flat)


def kernel(query, memory_keys, memory_values, k):
    b, d = query.shape
    topk = min(8, memory_keys.shape[0])
    idx = _topk_idx(query, memory_keys)
    rk, rv = _sc_gather(memory_keys, memory_values, idx.reshape(-1))
    return rk.reshape(b, topk, d), rv.reshape(b, topk, d)

# --- scband reference (transcript-rebuilt; emitter-appended) ---
"""Pipeline reference for scband-simple-ltmbank-62594853372105 (READ-ONLY COPY).

The authoritative reference and input builder live on the scoring server;
editing this copy changes nothing except your own understanding.
"""

import jax, jax.numpy as jnp
import numpy as np


def _normalize(x, axis=-1, eps=1e-12):
    # Faithful to torch.nn.functional.normalize (L2, clamp_min eps)
    n = jnp.linalg.norm(x, ord=2, axis=axis, keepdims=True)
    return x / jnp.maximum(n, eps)


def setup_inputs(seed: int = 0) -> dict:
    key = jax.random.key(seed)
    k1, k2, k3 = jax.random.split(key, 3)
    B, D, CAP, K = 1024, 512, 65536, 8
    query = jax.random.normal(k1, (B, D), dtype=jnp.float32)
    # Memory bank buffers, treated as a fully-populated bank (memory_size == capacity)
    memory_keys = jax.random.normal(k2, (CAP, D), dtype=jnp.float32)
    memory_values = jax.random.normal(k3, (CAP, D), dtype=jnp.float32)
    return {
        "query": query,
        "memory_keys": memory_keys,
        "memory_values": memory_values,
        "k": K,
    }


def reference(query, memory_keys, memory_values, k):
    # SimpleLTMBank.read with memory_size == capacity (bank full)
    query_norm = _normalize(query, axis=-1)
    memory_norm = _normalize(memory_keys, axis=-1)
    similarities = jnp.matmul(query_norm, memory_norm.T)  # [B, CAP]
    top_k = min(8, memory_keys.shape[0])
    _, indices = jax.lax.top_k(similarities, top_k)  # [B, k]
    indices = indices + (k - k)
    # Gather retrieved keys/values (the torch double loop is just a gather)
    retrieved_keys = jnp.take(memory_keys, indices, axis=0)    # [B, k, D]
    retrieved_values = jnp.take(memory_values, indices, axis=0)  # [B, k, D]
    return (retrieved_keys, retrieved_values)

if __name__ == "__main__":
    import jax
    _d = setup_inputs()
    print(jax.jit(kernel)(*tuple(_d.values())))

</pallas_src>

<mosaic_0001>
#map = affine_map<(d0, d1) -> (0, 0)>
#map1 = affine_map<(d0, d1) -> (0)>
module attributes {stable_mosaic.version = 14 : i64} {
  func.func @gk(%arg0: i32, %arg1: i32, %arg2: memref<65536x512xf32, #tpu.memory_space<hbm>>, %arg3: memref<65536x512xf32, #tpu.memory_space<hbm>>, %arg4: memref<8192xi32, #tpu.memory_space<hbm>>, %arg5: memref<8192x512xf32, #tpu.memory_space<hbm>>, %arg6: memref<8192x512xf32, #tpu.memory_space<hbm>>, %arg7: memref<256xi32, #tpu.memory_space<vmem>>, %arg8: memref<2x32x512xf32, #tpu.memory_space<vmem>>, %arg9: memref<2x32x512xf32, #tpu.memory_space<vmem>>, %arg10: memref<!tpu.dma_semaphore, #tpu.memory_space<semaphore_mem>>, %arg11: memref<!tpu.dma_semaphore, #tpu.memory_space<semaphore_mem>>, %arg12: memref<!tpu.dma_semaphore, #tpu.memory_space<semaphore_mem>>, %arg13: memref<!tpu.dma_semaphore, #tpu.memory_space<semaphore_mem>>) attributes {dimension_semantics = [#tpu.dimension_semantics<core_parallel>, #tpu.dimension_semantics<subcore_parallel>], iteration_bounds = array<i64: 2, 16>, scalar_prefetch = 0 : i64, scratch_operands = 7 : i64, tpu.core_type = #tpu.core_type<sc_vector_subcore>, window_params = [{transform_indices = #map}, {transform_indices = #map}, {transform_indices = #map1}, {transform_indices = #map}, {transform_indices = #map}]} {
    %mul3A = arith.constant 2 : i32
    %mul3A_0 = arith.muli %arg1, %mul3A : i32
    %add3A = arith.addi %mul3A_0, %arg0 : i32
    %mul3A_1 = arith.constant 256 : i32
    %mul3A_2 = arith.muli %add3A, %mul3A_1 : i32
    "tpu.region"() ({
      %run_scoped3A_352 = tpu.sem_alloc : memref<!tpu.dma_semaphore, #tpu.memory_space<semaphore_mem>>
      %dma_start3A_353 = tpu.memref_slice %arg4[%mul3A_2] : memref<8192xi32, #tpu.memory_space<hbm>> -> memref<256xi32, #tpu.memory_space<hbm>>
      %dma_start3A_354 = tpu.memref_slice %arg4[%mul3A_2] : memref<8192xi32, #tpu.memory_space<hbm>> -> memref<256xi32, #tpu.memory_space<hbm>>
      tpu.enqueue_dma source(%dma_start3A_354 : memref<256xi32, #tpu.memory_space<hbm>>) target(%arg7 : memref<256xi32, #tpu.memory_space<vmem>>) target_semaphore(%run_scoped3A_352 : memref<!tpu.dma_semaphore, #tpu.memory_space<semaphore_mem>>)
      %dma_wait3A_355 = tpu.memref_slice %arg4[%mul3A_2] : memref<8192xi32, #tpu.memory_space<hbm>> -> memref<256xi32, #tpu.memory_space<hbm>>
      %dma_wait3A_356 = tpu.memref_slice %arg4[%mul3A_2] : memref<8192xi32, #tpu.memory_space<hbm>> -> memref<256xi32, #tpu.memory_space<hbm>>
      tpu.wait_dma2 semaphore(%run_scoped3A_352 : memref<!tpu.dma_semaphore, #tpu.memory_space<semaphore_mem>>) src(%dma_wait3A_356 : memref<256xi32, #tpu.memory_space<hbm>>) dst(%arg7 : memref<256xi32, #tpu.memory_space<vmem>>)
      tpu.yield
    }) : () -> ()
    %dma_start3A = arith.constant 0 : i32
    %dma_start3A_3 = arith.constant 0 : i32
    %dma_start3A_4 = arith.constant 0 : i32
    %dma_start3A_5 = tpu.memref_slice %arg8[%dma_start3A, %dma_start3A_3, %dma_start3A_4] : memref<2x32x512xf32, #tpu.memory_space<vmem>> -> memref<1x32x512xf32, #tpu.memory_space<vmem>>
    %dma_start3A_6 = tpu.memref_squeeze %dma_start3A_5 : memref<1x32x512xf32, #tpu.memory_space<vmem>> -> memref<32x512xf32, #tpu.memory_space<vmem>>
    %dma_start3A_7 = arith.constant 0 : i32
    %dma_start3A_8 = tpu.memref_slice %arg7[%dma_start3A_7] : memref<256xi32, #tpu.memory_space<vmem>> -> memref<32xi32, #tpu.memory_space<vmem>>
    %dma_start3A_9 = arith.constant 0 : i32
    %dma_start3A_10 = arith.constant 0 : i32
    %dma_start3A_11 = tpu.memref_slice %arg2[%dma_start3A_9, %dma_start3A_10] : memref<65536x512xf32, #tpu.memory_space<hbm>> -> memref<65536x512xf32, #tpu.memory_space<hbm>>
    tpu.enqueue_indirect_dma source(%dma_start3A_11 : memref<65536x512xf32, #tpu.memory_space<hbm>>) target(%dma_start3A_6 : memref<32x512xf32, #tpu.memory_space<vmem>>) offsets(%dma_start3A_8 : memref<32xi32, #tpu.memory_space<vmem>>) semaphore(%arg10 : memref<!tpu.dma_semaphore, #tpu.memory_space<semaphore_mem>>)
    %dma_start3A_12 = arith.constant 0 : i32
    %dma_start3A_13 = arith.constant 0 : i32
    %dma_start3A_14 = arith.constant 0 : i32
    %dma_start3A_15 = tpu.memref_slice %arg9[%dma_start3A_12, %dma_start3A_13, %dma_start3A_14] : memref<2x32x512xf32, #tpu.memory_space<vmem>> -> memref<1x32x512xf32, #tpu.memory_space<vmem>>
    %dma_start3A_16 = tpu.memref_squeeze %dma_start3A_15 : memref<1x32x512xf32, #tpu.memory_space<vmem>> -> memref<32x512xf32, #tpu.memory_space<vmem>>
    %dma_start3A_17 = arith.constant 0 : i32
    %dma_start3A_18 = tpu.memref_slice %arg7[%dma_start3A_17] : memref<256xi32, #tpu.memory_space<vmem>> -> memref<32xi32, #tpu.memory_space<vmem>>
    %dma_start3A_19 = arith.constant 0 : i32
    %dma_start3A_20 = arith.constant 0 : i32
    %dma_start3A_21 = tpu.memref_slice %arg3[%dma_start3A_19, %dma_start3A_20] : memref<65536x512xf32, #tpu.memory_space<hbm>> -> memref<65536x512xf32, #tpu.memory_space<hbm>>
    tpu.enqueue_indirect_dma source(%dma_start3A_21 : memref<65536x512xf32, #tpu.memory_space<hbm>>) target(%dma_start3A_16 : memref<32x512xf32, #tpu.memory_space<vmem>>) offsets(%dma_start3A_18 : memref<32xi32, #tpu.memory_space<vmem>>) semaphore(%arg11 : memref<!tpu.dma_semaphore, #tpu.memory_space<semaphore_mem>>)
    %dma_start3A_22 = arith.constant 1 : i32
    %dma_start3A_23 = arith.constant 0 : i32
    %dma_start3A_24 = arith.constant 0 : i32
    %dma_start3A_25 = tpu.memref_slice %arg8[%dma_start3A_22, %dma_start3A_23, %dma_start3A_24] : memref<2x32x512xf32, #tpu.memory_space<vmem>> -> memref<1x32x512xf32, #tpu.memory_space<vmem>>
    %dma_start3A_26 = tpu.memref_squeeze %dma_start3A_25 : memref<1x32x512xf32, #tpu.memory_space<vmem>> -> memref<32x512xf32, #tpu.memory_space<vmem>>
    %dma_start3A_27 = arith.constant 32 : i32
    %dma_start3A_28 = tpu.memref_slice %arg7[%dma_start3A_27] : memref<256xi32, #tpu.memory_space<vmem>> -> memref<32xi32, #tpu.memory_space<vmem>>
    %dma_start3A_29 = arith.constant 0 : i32
    %dma_start3A_30 = arith.constant 0 : i32
    %dma_start3A_31 = tpu.memref_slice %arg2[%dma_start3A_29, %dma_start3A_30] : memref<65536x512xf32, #tpu.memory_space<hbm>> -> memref<65536x512xf32, #tpu.memory_space<hbm>>
    tpu.enqueue_indirect_dma source(%dma_start3A_31 : memref<65536x512xf32, #tpu.memory_space<hbm>>) target(%dma_start3A_26 : memref<32x512xf32, #tpu.memory_space<vmem>>) offsets(%dma_start3A_28 : memref<32xi32, #tpu.memory_space<vmem>>) semaphore(%arg12 : memref<!tpu.dma_semaphore, #tpu.memory_space<semaphore_mem>>)
    %dma_start3A_32 = arith.constant 1 : i32
    %dma_start3A_33 = arith.constant 0 : i32
    %dma_start3A_34 = arith.constant 0 : i32
    %dma_start3A_35 = tpu.memref_slice %arg9[%dma_start3A_32, %dma_start3A_33, %dma_start3A_34] : memref<2x32x512xf32, #tpu.memory_space<vmem>> -> memref<1x32x512xf32, #tpu.memory_space<vmem>>
    %dma_start3A_36 = tpu.memref_squeeze %dma_start3A_35 : memref<1x32x512xf32, #tpu.memory_space<vmem>> -> memref<32x512xf32, #tpu.memory_space<vmem>>
    %dma_start3A_37 = arith.constant 32 : i32
    %dma_start3A_38 = tpu.memref_slice %arg7[%dma_start3A_37] : memref<256xi32, #tpu.memory_space<vmem>> -> memref<32xi32, #tpu.memory_space<vmem>>
    %dma_start3A_39 = arith.constant 0 : i32
    %dma_start3A_40 = arith.constant 0 : i32
    %dma_start3A_41 = tpu.memref_slice %arg3[%dma_start3A_39, %dma_start3A_40] : memref<65536x512xf32, #tpu.memory_space<hbm>> -> memref<65536x512xf32, #tpu.memory_space<hbm>>
    tpu.enqueue_indirect_dma source(%dma_start3A_41 : memref<65536x512xf32, #tpu.memory_space<hbm>>) target(%dma_start3A_36 : memref<32x512xf32, #tpu.memory_space<vmem>>) offsets(%dma_start3A_38 : memref<32xi32, #tpu.memory_space<vmem>>) semaphore(%arg13 : memref<!tpu.dma_semaphore, #tpu.memory_space<semaphore_mem>>)
    %dma_wait3A = arith.constant 0 : i32
    %dma_wait3A_42 = arith.constant 0 : i32
    %dma_wait3A_43 = arith.constant 0 : i32
    %dma_wait3A_44 = tpu.memref_slice %arg8[%dma_wait3A, %dma_wait3A_42, %dma_wait3A_43] : memref<2x32x512xf32, #tpu.memory_space<vmem>> -> memref<1x32x512xf32, #tpu.memory_space<vmem>>
    %dma_wait3A_45 = tpu.memref_squeeze %dma_wait3A_44 : memref<1x32x512xf32, #tpu.memory_space<vmem>> -> memref<32x512xf32, #tpu.memory_space<vmem>>
    %dma_wait3A_46 = arith.constant 0 : i32
    %dma_wait3A_47 = tpu.memref_slice %arg7[%dma_wait3A_46] : memref<256xi32, #tpu.memory_space<vmem>> -> memref<32xi32, #tpu.memory_space<vmem>>
    %dma_wait3A_48 = arith.constant 0 : i32
    %dma_wait3A_49 = arith.constant 0 : i32
    %dma_wait3A_50 = tpu.memref_slice %arg2[%dma_wait3A_48, %dma_wait3A_49] : memref<65536x512xf32, #tpu.memory_space<hbm>> -> memref<65536x512xf32, #tpu.memory_space<hbm>>
    tpu.wait_indirect_dma semaphore(%arg10 : memref<!tpu.dma_semaphore, #tpu.memory_space<semaphore_mem>>) src(%dma_wait3A_50 : memref<65536x512xf32, #tpu.memory_space<hbm>>) dst(%dma_wait3A_45 : memref<32x512xf32, #tpu.memory_space<vmem>>)
    %dma_wait3A_51 = arith.constant 0 : i32
    %dma_wait3A_52 = arith.constant 0 : i32
    %dma_wait3A_53 = arith.constant 0 : i32
    %dma_wait3A_54 = tpu.memref_slice %arg9[%dma_wait3A_51, %dma_wait3A_52, %dma_wait3A_53] : memref<2x32x512xf32, #tpu.memory_space<vmem>> -> memref<1x32x512xf32, #tpu.memory_space<vmem>>
    %dma_wait3A_55 = tpu.memref_squeeze %dma_wait3A_54 : memref<1x32x512xf32, #tpu.memory_space<vmem>> -> memref<32x512xf32, #tpu.memory_space<vmem>>
    %dma_wait3A_56 = arith.constant 0 : i32
    %dma_wait3A_57 = tpu.memref_slice %arg7[%dma_wait3A_56] : memref<256xi32, #tpu.memory_space<vmem>> -> memref<32xi32, #tpu.memory_space<vmem>>
    %dma_wait3A_58 = arith.constant 0 : i32
    %dma_wait3A_59 = arith.constant 0 : i32
    %dma_wait3A_60 = tpu.memref_slice %arg3[%dma_wait3A_58, %dma_wait3A_59] : memref<65536x512xf32, #tpu.memory_space<hbm>> -> memref<65536x512xf32, #tpu.memory_space<hbm>>
    tpu.wait_indirect_dma semaphore(%arg11 : memref<!tpu.dma_semaphore, #tpu.memory_space<semaphore_mem>>) src(%dma_wait3A_60 : memref<65536x512xf32, #tpu.memory_space<hbm>>) dst(%dma_wait3A_55 : memref<32x512xf32, #tpu.memory_space<vmem>>)
    %add3A_61 = arith.constant 0 : i32
    %add3A_62 = arith.addi %mul3A_2, %add3A_61 : i32
    %run_scoped3A = arith.constant 0 : i32
    "tpu.region"() ({
      %run_scoped3A_352 = tpu.sem_alloc : memref<!tpu.dma_semaphore, #tpu.memory_space<semaphore_mem>>
      %dma_start3A_353 = arith.constant 0 : i32
      %dma_start3A_354 = arith.constant 0 : i32
      %dma_start3A_355 = tpu.memref_slice %arg8[%run_scoped3A, %dma_start3A_353, %dma_start3A_354] : memref<2x32x512xf32, #tpu.memory_space<vmem>> -> memref<1x32x512xf32, #tpu.memory_space<vmem>>
      %dma_start3A_356 = tpu.memref_squeeze %dma_start3A_355 : memref<1x32x512xf32, #tpu.memory_space<vmem>> -> memref<32x512xf32, #tpu.memory_space<vmem>>
      %dma_start3A_357 = arith.constant 0 : i32
      %dma_start3A_358 = tpu.memref_slice %arg5[%add3A_62, %dma_start3A_357] : memref<8192x512xf32, #tpu.memory_space<hbm>> -> memref<32x512xf32, #tpu.memory_space<hbm>>
      %dma_start3A_359 = arith.constant 0 : i32
      %dma_start3A_360 = tpu.memref_slice %arg5[%add3A_62, %dma_start3A_359] : memref<8192x512xf32, #tpu.memory_space<hbm>> -> memref<32x512xf32, #tpu.memory_space<hbm>>
      %dma_start3A_361 = arith.constant 0 : i32
      %dma_start3A_362 = arith.constant 0 : i32
      %dma_start3A_363 = tpu.memref_slice %arg8[%run_scoped3A, %dma_start3A_361, %dma_start3A_362] : memref<2x32x512xf32, #tpu.memory_space<vmem>> -> memref<1x32x512xf32, #tpu.memory_space<vmem>>
      %dma_start3A_364 = tpu.memref_squeeze %dma_start3A_363 : memref<1x32x512xf32, #tpu.memory_space<vmem>> -> memref<32x512xf32, #tpu.memory_space<vmem>>
      tpu.enqueue_dma source(%dma_start3A_364 : memref<32x512xf32, #tpu.memory_space<vmem>>) target(%dma_start3A_360 : memref<32x512xf32, #tpu.memory_space<hbm>>) target_semaphore(%run_scoped3A_352 : memref<!tpu.dma_semaphore, #tpu.memory_space<semaphore_mem>>)
      %dma_wait3A_365 = arith.constant 0 : i32
      %dma_wait3A_366 = arith.constant 0 : i32
      %dma_wait3A_367 = tpu.memref_slice %arg8[%run_scoped3A, %dma_wait3A_365, %dma_wait3A_366] : memref<2x32x512xf32, #tpu.memory_space<vmem>> -> memref<1x32x512xf32, #tpu.memory_space<vmem>>
      %dma_wait3A_368 = tpu.memref_squeeze %dma_wait3A_367 : memref<1x32x512xf32, #tpu.memory_space<vmem>> -> memref<32x512xf32, #tpu.memory_space<vmem>>
      %dma_wait3A_369 = arith.constant 0 : i32
      %dma_wait3A_370 = tpu.memref_slice %arg5[%add3A_62, %dma_wait3A_369] : memref<8192x512xf32, #tpu.memory_space<hbm>> -> memref<32x512xf32, #tpu.memory_space<hbm>>
      %dma_wait3A_371 = arith.constant 0 : i32
      %dma_wait3A_372 = tpu.memref_slice %arg5[%add3A_62, %dma_wait3A_371] : memref<8192x512xf32, #tpu.memory_space<hbm>> -> memref<32x512xf32, #tpu.memory_space<hbm>>
      %dma_wait3A_373 = arith.constant 0 : i32
      %dma_wait3A_374 = arith.constant 0 : i32
      %dma_wait3A_375 = tpu.memref_slice %arg8[%run_scoped3A, %dma_wait3A_373, %dma_wait3A_374] : memref<2x32x512xf32, #tpu.memory_space<vmem>> -> memref<1x32x512xf32, #tpu.memory_space<vmem>>
      %dma_wait3A_376 = tpu.memref_squeeze %dma_wait3A_375 : memref<1x32x512xf32, #tpu.memory_space<vmem>> -> memref<32x512xf32, #tpu.memory_space<vmem>>
      tpu.wait_dma2 semaphore(%run_scoped3A_352 : memref<!tpu.dma_semaphore, #tpu.memory_space<semaphore_mem>>) src(%dma_wait3A_376 : memref<32x512xf32, #tpu.memory_space<vmem>>) dst(%dma_wait3A_372 : memref<32x512xf32, #tpu.memory_space<hbm>>)
      tpu.yield
    }) : () -> ()
    %run_scoped3A_63 = arith.constant 0 : i32
    "tpu.region"() ({
      %run_scoped3A_352 = tpu.sem_alloc : memref<!tpu.dma_semaphore, #tpu.memory_space<semaphore_mem>>
      %dma_start3A_353 = arith.constant 0 : i32
      %dma_start3A_354 = arith.constant 0 : i32
      %dma_start3A_355 = tpu.memref_slice %arg9[%run_scoped3A_63, %dma_start3A_353, %dma_start3A_354] : memref<2x32x512xf32, #tpu.memory_space<vmem>> -> memref<1x32x512xf32, #tpu.memory_space<vmem>>
      %dma_start3A_356 = tpu.memref_squeeze %dma_start3A_355 : memref<1x32x512xf32, #tpu.memory_space<vmem>> -> memref<32x512xf32, #tpu.memory_space<vmem>>
      %dma_start3A_357 = arith.constant 0 : i32
      %dma_start3A_358 = tpu.memref_slice %arg6[%add3A_62, %dma_start3A_357] : memref<8192x512xf32, #tpu.memory_space<hbm>> -> memref<32x512xf32, #tpu.memory_space<hbm>>
      %dma_start3A_359 = arith.constant 0 : i32
      %dma_start3A_360 = tpu.memref_slice %arg6[%add3A_62, %dma_start3A_359] : memref<8192x512xf32, #tpu.memory_space<hbm>> -> memref<32x512xf32, #tpu.memory_space<hbm>>
      %dma_start3A_361 = arith.constant 0 : i32
      %dma_start3A_362 = arith.constant 0 : i32
      %dma_start3A_363 = tpu.memref_slice %arg9[%run_scoped3A_63, %dma_start3A_361, %dma_start3A_362] : memref<2x32x512xf32, #tpu.memory_space<vmem>> -> memref<1x32x512xf32, #tpu.memory_space<vmem>>
      %dma_start3A_364 = tpu.memref_squeeze %dma_start3A_363 : memref<1x32x512xf32, #tpu.memory_space<vmem>> -> memref<32x512xf32, #tpu.memory_space<vmem>>
      tpu.enqueue_dma source(%dma_start3A_364 : memref<32x512xf32, #tpu.memory_space<vmem>>) target(%dma_start3A_360 : memref<32x512xf32, #tpu.memory_space<hbm>>) target_semaphore(%run_scoped3A_352 : memref<!tpu.dma_semaphore, #tpu.memory_space<semaphore_mem>>)
      %dma_wait3A_365 = arith.constant 0 : i32
      %dma_wait3A_366 = arith.constant 0 : i32
      %dma_wait3A_367 = tpu.memref_slice %arg9[%run_scoped3A_63, %dma_wait3A_365, %dma_wait3A_366] : memref<2x32x512xf32, #tpu.memory_space<vmem>> -> memref<1x32x512xf32, #tpu.memory_space<vmem>>
      %dma_wait3A_368 = tpu.memref_squeeze %dma_wait3A_367 : memref<1x32x512xf32, #tpu.memory_space<vmem>> -> memref<32x512xf32, #tpu.memory_space<vmem>>
      %dma_wait3A_369 = arith.constant 0 : i32
      %dma_wait3A_370 = tpu.memref_slice %arg6[%add3A_62, %dma_wait3A_369] : memref<8192x512xf32, #tpu.memory_space<hbm>> -> memref<32x512xf32, #tpu.memory_space<hbm>>
      %dma_wait3A_371 = arith.constant 0 : i32
      %dma_wait3A_372 = tpu.memref_slice %arg6[%add3A_62, %dma_wait3A_371] : memref<8192x512xf32, #tpu.memory_space<hbm>> -> memref<32x512xf32, #tpu.memory_space<hbm>>
      %dma_wait3A_373 = arith.constant 0 : i32
      %dma_wait3A_374 = arith.constant 0 : i32
      %dma_wait3A_375 = tpu.memref_slice %arg9[%run_scoped3A_63, %dma_wait3A_373, %dma_wait3A_374] : memref<2x32x512xf32, #tpu.memory_space<vmem>> -> memref<1x32x512xf32, #tpu.memory_space<vmem>>
      %dma_wait3A_376 = tpu.memref_squeeze %dma_wait3A_375 : memref<1x32x512xf32, #tpu.memory_space<vmem>> -> memref<32x512xf32, #tpu.memory_space<vmem>>
      tpu.wait_dma2 semaphore(%run_scoped3A_352 : memref<!tpu.dma_semaphore, #tpu.memory_space<semaphore_mem>>) src(%dma_wait3A_376 : memref<32x512xf32, #tpu.memory_space<vmem>>) dst(%dma_wait3A_372 : memref<32x512xf32, #tpu.memory_space<hbm>>)
      tpu.yield
    }) : () -> ()
    %dma_start3A_64 = arith.constant 0 : i32
    %dma_start3A_65 = arith.constant 0 : i32
    %dma_start3A_66 = arith.constant 0 : i32
    %dma_start3A_67 = tpu.memref_slice %arg8[%dma_start3A_64, %dma_start3A_65, %dma_start3A_66] : memref<2x32x512xf32, #tpu.memory_space<vmem>> -> memref<1x32x512xf32, #tpu.memory_space<vmem>>
    %dma_start3A_68 = tpu.memref_squeeze %dma_start3A_67 : memref<1x32x512xf32, #tpu.memory_space<vmem>> -> memref<32x512xf32, #tpu.memory_space<vmem>>
    %dma_start3A_69 = arith.constant 64 : i32
    %dma_start3A_70 = tpu.memref_slice %arg7[%dma_start3A_69] : memref<256xi32, #tpu.memory_space<vmem>> -> memref<32xi32, #tpu.memory_space<vmem>>
    %dma_start3A_71 = arith.constant 0 : i32
    %dma_start3A_72 = arith.constant 0 : i32
    %dma_start3A_73 = tpu.memref_slice %arg2[%dma_start3A_71, %dma_start3A_72] : memref<65536x512xf32, #tpu.memory_space<hbm>> -> memref<65536x512xf32, #tpu.memory_space<hbm>>
    tpu.enqueue_indirect_dma source(%dma_start3A_73 : memref<65536x512xf32, #tpu.memory_space<hbm>>) target(%dma_start3A_68 : memref<32x512xf32, #tpu.memory_space<vmem>>) offsets(%dma_start3A_70 : memref<32xi32, #tpu.memory_space<vmem>>) semaphore(%arg10 : memref<!tpu.dma_semaphore, #tpu.memory_space<semaphore_mem>>)
    %dma_start3A_74 = arith.constant 0 : i32
    %dma_start3A_75 = arith.constant 0 : i32
    %dma_start3A_76 = arith.constant 0 : i32
    %dma_start3A_77 = tpu.memref_slice %arg9[%dma_start3A_74, %dma_start3A_75, %dma_start3A_76] : memref<2x32x512xf32, #tpu.memory_space<vmem>> -> memref<1x32x512xf32, #tpu.memory_space<vmem>>
    %dma_start3A_78 = tpu.memref_squeeze %dma_start3A_77 : memref<1x32x512xf32, #tpu.memory_space<vmem>> -> memref<32x512xf32, #tpu.memory_space<vmem>>
    %dma_start3A_79 = arith.constant 64 : i32
    %dma_start3A_80 = tpu.memref_slice %arg7[%dma_start3A_79] : memref<256xi32, #tpu.memory_space<vmem>> -> memref<32xi32, #tpu.memory_space<vmem>>
    %dma_start3A_81 = arith.constant 0 : i32
    %dma_start3A_82 = arith.constant 0 : i32
    %dma_start3A_83 = tpu.memref_slice %arg3[%dma_start3A_81, %dma_start3A_82] : memref<65536x512xf32, #tpu.memory_space<hbm>> -> memref<65536x512xf32, #tpu.memory_space<hbm>>
    tpu.enqueue_indirect_dma source(%dma_start3A_83 : memref<65536x512xf32, #tpu.memory_space<hbm>>) target(%dma_start3A_78 : memref<32x512xf32, #tpu.memory_space<vmem>>) offsets(%dma_start3A_80 : memref<32xi32, #tpu.memory_space<vmem>>) semaphore(%arg11 : memref<!tpu.dma_semaphore, #tpu.memory_space<semaphore_mem>>)
    %dma_wait3A_84 = arith.constant 1 : i32
    %dma_wait3A_85 = arith.constant 0 : i32
    %dma_wait3A_86 = arith.constant 0 : i32
    %dma_wait3A_87 = tpu.memref_slice %arg8[%dma_wait3A_84, %dma_wait3A_85, %dma_wait3A_86] : memref<2x32x512xf32, #tpu.memory_space<vmem>> -> memref<1x32x512xf32, #tpu.memory_space<vmem>>
    %dma_wait3A_88 = tpu.memref_squeeze %dma_wait3A_87 : memref<1x32x512xf32, #tpu.memory_space<vmem>> -> memref<32x512xf32, #tpu.memory_space<vmem>>
    %dma_wait3A_89 = arith.constant 32 : i32
    %dma_wait3A_90 = tpu.memref_slice %arg7[%dma_wait3A_89] : memref<256xi32, #tpu.memory_space<vmem>> -> memref<32xi32, #tpu.memory_space<vmem>>
    %dma_wait3A_91 = arith.constant 0 : i32
    %dma_wait3A_92 = arith.constant 0 : i32
    %dma_wait3A_93 = tpu.memref_slice %arg2[%dma_wait3A_91, %dma_wait3A_92] : memref<65536x512xf32, #tpu.memory_space<hbm>> -> memref<65536x512xf32, #tpu.memory_space<hbm>>
    tpu.wait_indirect_dma semaphore(%arg12 : memref<!tpu.dma_semaphore, #tpu.memory_space<semaphore_mem>>) src(%dma_wait3A_93 : memref<65536x512xf32, #tpu.memory_space<hbm>>) dst(%dma_wait3A_88 : memref<32x512xf32, #tpu.memory_space<vmem>>)
    %dma_wait3A_94 = arith.constant 1 : i32
    %dma_wait3A_95 = arith.constant 0 : i32
    %dma_wait3A_96 = arith.constant 0 : i32
    %dma_wait3A_97 = tpu.memref_slice %arg9[%dma_wait3A_94, %dma_wait3A_95, %dma_wait3A_96] : memref<2x32x512xf32, #tpu.memory_space<vmem>> -> memref<1x32x512xf32, #tpu.memory_space<vmem>>
    %dma_wait3A_98 = tpu.memref_squeeze %dma_wait3A_97 : memref<1x32x512xf32, #tpu.memory_space<vmem>> -> memref<32x512xf32, #tpu.memory_space<vmem>>
    %dma_wait3A_99 = arith.constant 32 : i32
    %dma_wait3A_100 = tpu.memref_slice %arg7[%dma_wait3A_99] : memref<256xi32, #tpu.memory_space<vmem>> -> memref<32xi32, #tpu.memory_space<vmem>>
    %dma_wait3A_101 = arith.constant 0 : i32
    %dma_wait3A_102 = arith.constant 0 : i32
    %dma_wait3A_103 = tpu.memref_slice %arg3[%dma_wait3A_101, %dma_wait3A_102] : memref<65536x512xf32, #tpu.memory_space<hbm>> -> memref<65536x512xf32, #tpu.memory_space<hbm>>
    tpu.wait_indirect_dma semaphore(%arg13 : memref<!tpu.dma_semaphore, #tpu.memory_space<semaphore_mem>>) src(%dma_wait3A_103 : memref<65536x512xf32, #tpu.memory_space<hbm>>) dst(%dma_wait3A_98 : memref<32x512xf32, #tpu.memory_space<vmem>>)
    %add3A_104 = arith.constant 32 : i32
    %add3A_105 = arith.addi %mul3A_2, %add3A_104 : i32
    %run_scoped3A_106 = arith.constant 1 : i32
    "tpu.region"() ({
      %run_scoped3A_352 = tpu.sem_alloc : memref<!tpu.dma_semaphore, #tpu.memory_space<semaphore_mem>>
      %dma_start3A_353 = arith.constant 0 : i32
      %dma_start3A_354 = arith.constant 0 : i32
      %dma_start3A_355 = tpu.memref_slice %arg8[%run_scoped3A_106, %dma_start3A_353, %dma_start3A_354] : memref<2x32x512xf32, #tpu.memory_space<vmem>> -> memref<1x32x512xf32, #tpu.memory_space<vmem>>
      %dma_start3A_356 = tpu.memref_squeeze %dma_start3A_355 : memref<1x32x512xf32, #tpu.memory_space<vmem>> -> memref<32x512xf32, #tpu.memory_space<vmem>>
      %dma_start3A_357 = arith.constant 0 : i32
      %dma_start3A_358 = tpu.memref_slice %arg5[%add3A_105, %dma_start3A_357] : memref<8192x512xf32, #tpu.memory_space<hbm>> -> memref<32x512xf32, #tpu.memory_space<hbm>>
      %dma_start3A_359 = arith.constant 0 : i32
      %dma_start3A_360 = tpu.memref_slice %arg5[%add3A_105, %dma_start3A_359] : memref<8192x512xf32, #tpu.memory_space<hbm>> -> memref<32x512xf32, #tpu.memory_space<hbm>>
      %dma_start3A_361 = arith.constant 0 : i32
      %dma_start3A_362 = arith.constant 0 : i32
      %dma_start3A_363 = tpu.memref_slice %arg8[%run_scoped3A_106, %dma_start3A_361, %dma_start3A_362] : memref<2x32x512xf32, #tpu.memory_space<vmem>> -> memref<1x32x512xf32, #tpu.memory_space<vmem>>
      %dma_start3A_364 = tpu.memref_squeeze %dma_start3A_363 : memref<1x32x512xf32, #tpu.memory_space<vmem>> -> memref<32x512xf32, #tpu.memory_space<vmem>>
      tpu.enqueue_dma source(%dma_start3A_364 : memref<32x512xf32, #tpu.memory_space<vmem>>) target(%dma_start3A_360 : memref<32x512xf32, #tpu.memory_space<hbm>>) target_semaphore(%run_scoped3A_352 : memref<!tpu.dma_semaphore, #tpu.memory_space<semaphore_mem>>)
      %dma_wait3A_365 = arith.constant 0 : i32
      %dma_wait3A_366 = arith.constant 0 : i32
      %dma_wait3A_367 = tpu.memref_slice %arg8[%run_scoped3A_106, %dma_wait3A_365, %dma_wait3A_366] : memref<2x32x512xf32, #tpu.memory_space<vmem>> -> memref<1x32x512xf32, #tpu.memory_space<vmem>>
      %dma_wait3A_368 = tpu.memref_squeeze %dma_wait3A_367 : memref<1x32x512xf32, #tpu.memory_space<vmem>> -> memref<32x512xf32, #tpu.memory_space<vmem>>
      %dma_wait3A_369 = arith.constant 0 : i32
      %dma_wait3A_370 = tpu.memref_slice %arg5[%add3A_105, %dma_wait3A_369] : memref<8192x512xf32, #tpu.memory_space<hbm>> -> memref<32x512xf32, #tpu.memory_space<hbm>>
      %dma_wait3A_371 = arith.constant 0 : i32
      %dma_wait3A_372 = tpu.memref_slice %arg5[%add3A_105, %dma_wait3A_371] : memref<8192x512xf32, #tpu.memory_space<hbm>> -> memref<32x512xf32, #tpu.memory_space<hbm>>
      %dma_wait3A_373 = arith.constant 0 : i32
      %dma_wait3A_374 = arith.constant 0 : i32
      %dma_wait3A_375 = tpu.memref_slice %arg8[%run_scoped3A_106, %dma_wait3A_373, %dma_wait3A_374] : memref<2x32x512xf32, #tpu.memory_space<vmem>> -> memref<1x32x512xf32, #tpu.memory_space<vmem>>
      %dma_wait3A_376 = tpu.memref_squeeze %dma_wait3A_375 : memref<1x32x512xf32, #tpu.memory_space<vmem>> -> memref<32x512xf32, #tpu.memory_space<vmem>>
      tpu.wait_dma2 semaphore(%run_scoped3A_352 : memref<!tpu.dma_semaphore, #tpu.memory_space<semaphore_mem>>) src(%dma_wait3A_376 : memref<32x512xf32, #tpu.memory_space<vmem>>) dst(%dma_wait3A_372 : memref<32x512xf32, #tpu.memory_space<hbm>>)
      tpu.yield
    }) : () -> ()
    %run_scoped3A_107 = arith.constant 1 : i32
    "tpu.region"() ({
      %run_scoped3A_352 = tpu.sem_alloc : memref<!tpu.dma_semaphore, #tpu.memory_space<semaphore_mem>>
      %dma_start3A_353 = arith.constant 0 : i32
      %dma_start3A_354 = arith.constant 0 : i32
      %dma_start3A_355 = tpu.memref_slice %arg9[%run_scoped3A_107, %dma_start3A_353, %dma_start3A_354] : memref<2x32x512xf32, #tpu.memory_space<vmem>> -> memref<1x32x512xf32, #tpu.memory_space<vmem>>
      %dma_start3A_356 = tpu.memref_squeeze %dma_start3A_355 : memref<1x32x512xf32, #tpu.memory_space<vmem>> -> memref<32x512xf32, #tpu.memory_space<vmem>>
      %dma_start3A_357 = arith.constant 0 : i32
      %dma_start3A_358 = tpu.memref_slice %arg6[%add3A_105, %dma_start3A_357] : memref<8192x512xf32, #tpu.memory_space<hbm>> -> memref<32x512xf32, #tpu.memory_space<hbm>>
      %dma_start3A_359 = arith.constant 0 : i32
      %dma_start3A_360 = tpu.memref_slice %arg6[%add3A_105, %dma_start3A_359] : memref<8192x512xf32, #tpu.memory_space<hbm>> -> memref<32x512xf32, #tpu.memory_space<hbm>>
      %dma_start3A_361 = arith.constant 0 : i32
      %dma_start3A_362 = arith.constant 0 : i32
      %dma_start3A_363 = tpu.memref_slice %arg9[%run_scoped3A_107, %dma_start3A_361, %dma_start3A_362] : memref<2x32x512xf32, #tpu.memory_space<vmem>> -> memref<1x32x512xf32, #tpu.memory_space<vmem>>
      %dma_start3A_364 = tpu.memref_squeeze %dma_start3A_363 : memref<1x32x512xf32, #tpu.memory_space<vmem>> -> memref<32x512xf32, #tpu.memory_space<vmem>>
      tpu.enqueue_dma source(%dma_start3A_364 : memref<32x512xf32, #tpu.memory_space<vmem>>) target(%dma_start3A_360 : memref<32x512xf32, #tpu.memory_space<hbm>>) target_semaphore(%run_scoped3A_352 : memref<!tpu.dma_semaphore, #tpu.memory_space<semaphore_mem>>)
      %dma_wait3A_365 = arith.constant 0 : i32
      %dma_wait3A_366 = arith.constant 0 : i32
      %dma_wait3A_367 = tpu.memref_slice %arg9[%run_scoped3A_107, %dma_wait3A_365, %dma_wait3A_366] : memref<2x32x512xf32, #tpu.memory_space<vmem>> -> memref<1x32x512xf32, #tpu.memory_space<vmem>>
      %dma_wait3A_368 = tpu.memref_squeeze %dma_wait3A_367 : memref<1x32x512xf32, #tpu.memory_space<vmem>> -> memref<32x512xf32, #tpu.memory_space<vmem>>
      %dma_wait3A_369 = arith.constant 0 : i32
      %dma_wait3A_370 = tpu.memref_slice %arg6[%add3A_105, %dma_wait3A_369] : memref<8192x512xf32, #tpu.memory_space<hbm>> -> memref<32x512xf32, #tpu.memory_space<hbm>>
      %dma_wait3A_371 = arith.constant 0 : i32
      %dma_wait3A_372 = tpu.memref_slice %arg6[%add3A_105, %dma_wait3A_371] : memref<8192x512xf32, #tpu.memory_space<hbm>> -> memref<32x512xf32, #tpu.memory_space<hbm>>
      %dma_wait3A_373 = arith.constant 0 : i32
      %dma_wait3A_374 = arith.constant 0 : i32
      %dma_wait3A_375 = tpu.memref_slice %arg9[%run_scoped3A_107, %dma_wait3A_373, %dma_wait3A_374] : memref<2x32x512xf32, #tpu.memory_space<vmem>> -> memref<1x32x512xf32, #tpu.memory_space<vmem>>
      %dma_wait3A_376 = tpu.memref_squeeze %dma_wait3A_375 : memref<1x32x512xf32, #tpu.memory_space<vmem>> -> memref<32x512xf32, #tpu.memory_space<vmem>>
      tpu.wait_dma2 semaphore(%run_scoped3A_352 : memref<!tpu.dma_semaphore, #tpu.memory_space<semaphore_mem>>) src(%dma_wait3A_376 : memref<32x512xf32, #tpu.memory_space<vmem>>) dst(%dma_wait3A_372 : memref<32x512xf32, #tpu.memory_space<hbm>>)
      tpu.yield
    }) : () -> ()
    %dma_start3A_108 = arith.constant 1 : i32
    %dma_start3A_109 = arith.constant 0 : i32
    %dma_start3A_110 = arith.constant 0 : i32
    %dma_start3A_111 = tpu.memref_slice %arg8[%dma_start3A_108, %dma_start3A_109, %dma_start3A_110] : memref<2x32x512xf32, #tpu.memory_space<vmem>> -> memref<1x32x512xf32, #tpu.memory_space<vmem>>
    %dma_start3A_112 = tpu.memref_squeeze %dma_start3A_111 : memref<1x32x512xf32, #tpu.memory_space<vmem>> -> memref<32x512xf32, #tpu.memory_space<vmem>>
    %dma_start3A_113 = arith.constant 96 : i32
    %dma_start3A_114 = tpu.memref_slice %arg7[%dma_start3A_113] : memref<256xi32, #tpu.memory_space<vmem>> -> memref<32xi32, #tpu.memory_space<vmem>>
    %dma_start3A_115 = arith.constant 0 : i32
    %dma_start3A_116 = arith.constant 0 : i32
    %dma_start3A_117 = tpu.memref_slice %arg2[%dma_start3A_115, %dma_start3A_116] : memref<65536x512xf32, #tpu.memory_space<hbm>> -> memref<65536x512xf32, #tpu.memory_space<hbm>>
    tpu.enqueue_indirect_dma source(%dma_start3A_117 : memref<65536x512xf32, #tpu.memory_space<hbm>>) target(%dma_start3A_112 : memref<32x512xf32, #tpu.memory_space<vmem>>) offsets(%dma_start3A_114 : memref<32xi32, #tpu.memory_space<vmem>>) semaphore(%arg12 : memref<!tpu.dma_semaphore, #tpu.memory_space<semaphore_mem>>)
    %dma_start3A_118 = arith.constant 1 : i32
    %dma_start3A_119 = arith.constant 0 : i32
    %dma_start3A_120 = arith.constant 0 : i32
    %dma_start3A_121 = tpu.memref_slice %arg9[%dma_start3A_118, %dma_start3A_119, %dma_start3A_120] : memref<2x32x512xf32, #tpu.memory_space<vmem>> -> memref<1x32x512xf32, #tpu.memory_space<vmem>>
    %dma_start3A_122 = tpu.memref_squeeze %dma_start3A_121 : memref<1x32x512xf32, #tpu.memory_space<vmem>> -> memref<32x512xf32, #tpu.memory_space<vmem>>
    %dma_start3A_123 = arith.constant 96 : i32
    %dma_start3A_124 = tpu.memref_slice %arg7[%dma_start3A_123] : memref<256xi32, #tpu.memory_space<vmem>> -> memref<32xi32, #tpu.memory_space<vmem>>
    %dma_start3A_125 = arith.constant 0 : i32
    %dma_start3A_126 = arith.constant 0 : i32
    %dma_start3A_127 = tpu.memref_slice %arg3[%dma_start3A_125, %dma_start3A_126] : memref<65536x512xf32, #tpu.memory_space<hbm>> -> memref<65536x512xf32, #tpu.memory_space<hbm>>
    tpu.enqueue_indirect_dma source(%dma_start3A_127 : memref<65536x512xf32, #tpu.memory_space<hbm>>) target(%dma_start3A_122 : memref<32x512xf32, #tpu.memory_space<vmem>>) offsets(%dma_start3A_124 : memref<32xi32, #tpu.memory_space<vmem>>) semaphore(%arg13 : memref<!tpu.dma_semaphore, #tpu.memory_space<semaphore_mem>>)
    %dma_wait3A_128 = arith.constant 0 : i32
    %dma_wait3A_129 = arith.constant 0 : i32
    %dma_wait3A_130 = arith.constant 0 : i32
    %dma_wait3A_131 = tpu.memref_slice %arg8[%dma_wait3A_128, %dma_wait3A_129, %dma_wait3A_130] : memref<2x32x512xf32, #tpu.memory_space<vmem>> -> memref<1x32x512xf32, #tpu.memory_space<vmem>>
    %dma_wait3A_132 = tpu.memref_squeeze %dma_wait3A_131 : memref<1x32x512xf32, #tpu.memory_space<vmem>> -> memref<32x512xf32, #tpu.memory_space<vmem>>
    %dma_wait3A_133 = arith.constant 64 : i32
    %dma_wait3A_134 = tpu.memref_slice %arg7[%dma_wait3A_133] : memref<256xi32, #tpu.memory_space<vmem>> -> memref<32xi32, #tpu.memory_space<vmem>>
    %dma_wait3A_135 = arith.constant 0 : i32
    %dma_wait3A_136 = arith.constant 0 : i32
    %dma_wait3A_137 = tpu.memref_slice %arg2[%dma_wait3A_135, %dma_wait3A_136] : memref<65536x512xf32, #tpu.memory_space<hbm>> -> memref<65536x512xf32, #tpu.memory_space<hbm>>
    tpu.wait_indirect_dma semaphore(%arg10 : memref<!tpu.dma_semaphore, #tpu.memory_space<semaphore_mem>>) src(%dma_wait3A_137 : memref<65536x512xf32, #tpu.memory_space<hbm>>) dst(%dma_wait3A_132 : memref<32x512xf32, #tpu.memory_space<vmem>>)
    %dma_wait3A_138 = arith.constant 0 : i32
    %dma_wait3A_139 = arith.constant 0 : i32
    %dma_wait3A_140 = arith.constant 0 : i32
    %dma_wait3A_141 = tpu.memref_slice %arg9[%dma_wait3A_138, %dma_wait3A_139, %dma_wait3A_140] : memref<2x32x512xf32, #tpu.memory_space<vmem>> -> memref<1x32x512xf32, #tpu.memory_space<vmem>>
    %dma_wait3A_142 = tpu.memref_squeeze %dma_wait3A_141 : memref<1x32x512xf32, #tpu.memory_space<vmem>> -> memref<32x512xf32, #tpu.memory_space<vmem>>
    %dma_wait3A_143 = arith.constant 64 : i32
    %dma_wait3A_144 = tpu.memref_slice %arg7[%dma_wait3A_143] : memref<256xi32, #tpu.memory_space<vmem>> -> memref<32xi32, #tpu.memory_space<vmem>>
    %dma_wait3A_145 = arith.constant 0 : i32
    %dma_wait3A_146 = arith.constant 0 : i32
    %dma_wait3A_147 = tpu.memref_slice %arg3[%dma_wait3A_145, %dma_wait3A_146] : memref<65536x512xf32, #tpu.memory_space<hbm>> -> memref<65536x512xf32, #tpu.memory_space<hbm>>
    tpu.wait_indirect_dma semaphore(%arg11 : memref<!tpu.dma_semaphore, #tpu.memory_space<semaphore_mem>>) src(%dma_wait3A_147 : memref<65536x512xf32, #tpu.memory_space<hbm>>) dst(%dma_wait3A_142 : memref<32x512xf32, #tpu.memory_space<vmem>>)
    %add3A_148 = arith.constant 64 : i32
    %add3A_149 = arith.addi %mul3A_2, %add3A_148 : i32
    %run_scoped3A_150 = arith.constant 0 : i32
    "tpu.region"() ({
      %run_scoped3A_352 = tpu.sem_alloc : memref<!tpu.dma_semaphore, #tpu.memory_space<semaphore_mem>>
      %dma_start3A_353 = arith.constant 0 : i32
      %dma_start3A_354 = arith.constant 0 : i32
      %dma_start3A_355 = tpu.memref_slice %arg8[%run_scoped3A_150, %dma_start3A_353, %dma_start3A_354] : memref<2x32x512xf32, #tpu.memory_space<vmem>> -> memref<1x32x512xf32, #tpu.memory_space<vmem>>
      %dma_start3A_356 = tpu.memref_squeeze %dma_start3A_355 : memref<1x32x512xf32, #tpu.memory_space<vmem>> -> memref<32x512xf32, #tpu.memory_space<vmem>>
      %dma_start3A_357 = arith.constant 0 : i32
      %dma_start3A_358 = tpu.memref_slice %arg5[%add3A_149, %dma_start3A_357] : memref<8192x512xf32, #tpu.memory_space<hbm>> -> memref<32x512xf32, #tpu.memory_space<hbm>>
      %dma_start3A_359 = arith.constant 0 : i32
      %dma_start3A_360 = tpu.memref_slice %arg5[%add3A_149, %dma_start3A_359] : memref<8192x512xf32, #tpu.memory_space<hbm>> -> memref<32x512xf32, #tpu.memory_space<hbm>>
      %dma_start3A_361 = arith.constant 0 : i32
      %dma_start3A_362 = arith.constant 0 : i32
      %dma_start3A_363 = tpu.memref_slice %arg8[%run_scoped3A_150, %dma_start3A_361, %dma_start3A_362] : memref<2x32x512xf32, #tpu.memory_space<vmem>> -> memref<1x32x512xf32, #tpu.memory_space<vmem>>
      %dma_start3A_364 = tpu.memref_squeeze %dma_start3A_363 : memref<1x32x512xf32, #tpu.memory_space<vmem>> -> memref<32x512xf32, #tpu.memory_space<vmem>>
      tpu.enqueue_dma source(%dma_start3A_364 : memref<32x512xf32, #tpu.memory_space<vmem>>) target(%dma_start3A_360 : memref<32x512xf32, #tpu.memory_space<hbm>>) target_semaphore(%run_scoped3A_352 : memref<!tpu.dma_semaphore, #tpu.memory_space<semaphore_mem>>)
      %dma_wait3A_365 = arith.constant 0 : i32
      %dma_wait3A_366 = arith.constant 0 : i32
      %dma_wait3A_367 = tpu.memref_slice %arg8[%run_scoped3A_150, %dma_wait3A_365, %dma_wait3A_366] : memref<2x32x512xf32, #tpu.memory_space<vmem>> -> memref<1x32x512xf32, #tpu.memory_space<vmem>>
      %dma_wait3A_368 = tpu.memref_squeeze %dma_wait3A_367 : memref<1x32x512xf32, #tpu.memory_space<vmem>> -> memref<32x512xf32, #tpu.memory_space<vmem>>
      %dma_wait3A_369 = arith.constant 0 : i32
      %dma_wait3A_370 = tpu.memref_slice %arg5[%add3A_149, %dma_wait3A_369] : memref<8192x512xf32, #tpu.memory_space<hbm>> -> memref<32x512xf32, #tpu.memory_space<hbm>>
      %dma_wait3A_371 = arith.constant 0 : i32
      %dma_wait3A_372 = tpu.memref_slice %arg5[%add3A_149, %dma_wait3A_371] : memref<8192x512xf32, #tpu.memory_space<hbm>> -> memref<32x512xf32, #tpu.memory_space<hbm>>
      %dma_wait3A_373 = arith.constant 0 : i32
      %dma_wait3A_374 = arith.constant 0 : i32
      %dma_wait3A_375 = tpu.memref_slice %arg8[%run_scoped3A_150, %dma_wait3A_373, %dma_wait3A_374] : memref<2x32x512xf32, #tpu.memory_space<vmem>> -> memref<1x32x512xf32, #tpu.memory_space<vmem>>
      %dma_wait3A_376 = tpu.memref_squeeze %dma_wait3A_375 : memref<1x32x512xf32, #tpu.memory_space<vmem>> -> memref<32x512xf32, #tpu.memory_space<vmem>>
      tpu.wait_dma2 semaphore(%run_scoped3A_352 : memref<!tpu.dma_semaphore, #tpu.memory_space<semaphore_mem>>) src(%dma_wait3A_376 : memref<32x512xf32, #tpu.memory_space<vmem>>) dst(%dma_wait3A_372 : memref<32x512xf32, #tpu.memory_space<hbm>>)
      tpu.yield
    }) : () -> ()
    %run_scoped3A_151 = arith.constant 0 : i32
    "tpu.region"() ({
      %run_scoped3A_352 = tpu.sem_alloc : memref<!tpu.dma_semaphore, #tpu.memory_space<semaphore_mem>>
      %dma_start3A_353 = arith.constant 0 : i32
      %dma_start3A_354 = arith.constant 0 : i32
      %dma_start3A_355 = tpu.memref_slice %arg9[%run_scoped3A_151, %dma_start3A_353, %dma_start3A_354] : memref<2x32x512xf32, #tpu.memory_space<vmem>> -> memref<1x32x512xf32, #tpu.memory_space<vmem>>
      %dma_start3A_356 = tpu.memref_squeeze %dma_start3A_355 : memref<1x32x512xf32, #tpu.memory_space<vmem>> -> memref<32x512xf32, #tpu.memory_space<vmem>>
      %dma_start3A_357 = arith.constant 0 : i32
      %dma_start3A_358 = tpu.memref_slice %arg6[%add3A_149, %dma_start3A_357] : memref<8192x512xf32, #tpu.memory_space<hbm>> -> memref<32x512xf32, #tpu.memory_space<hbm>>
      %dma_start3A_359 = arith.constant 0 : i32
      %dma_start3A_360 = tpu.memref_slice %arg6[%add3A_149, %dma_start3A_359] : memref<8192x512xf32, #tpu.memory_space<hbm>> -> memref<32x512xf32, #tpu.memory_space<hbm>>
      %dma_start3A_361 = arith.constant 0 : i32
      %dma_start3A_362 = arith.constant 0 : i32
      %dma_start3A_363 = tpu.memref_slice %arg9[%run_scoped3A_151, %dma_start3A_361, %dma_start3A_362] : memref<2x32x512xf32, #tpu.memory_space<vmem>> -> memref<1x32x512xf32, #tpu.memory_space<vmem>>
      %dma_start3A_364 = tpu.memref_squeeze %dma_start3A_363 : memref<1x32x512xf32, #tpu.memory_space<vmem>> -> memref<32x512xf32, #tpu.memory_space<vmem>>
      tpu.enqueue_dma source(%dma_start3A_364 : memref<32x512xf32, #tpu.memory_space<vmem>>) target(%dma_start3A_360 : memref<32x512xf32, #tpu.memory_space<hbm>>) target_semaphore(%run_scoped3A_352 : memref<!tpu.dma_semaphore, #tpu.memory_space<semaphore_mem>>)
      %dma_wait3A_365 = arith.constant 0 : i32
      %dma_wait3A_366 = arith.constant 0 : i32
      %dma_wait3A_367 = tpu.memref_slice %arg9[%run_scoped3A_151, %dma_wait3A_365, %dma_wait3A_366] : memref<2x32x512xf32, #tpu.memory_space<vmem>> -> memref<1x32x512xf32, #tpu.memory_space<vmem>>
      %dma_wait3A_368 = tpu.memref_squeeze %dma_wait3A_367 : memref<1x32x512xf32, #tpu.memory_space<vmem>> -> memref<32x512xf32, #tpu.memory_space<vmem>>
      %dma_wait3A_369 = arith.constant 0 : i32
      %dma_wait3A_370 = tpu.memref_slice %arg6[%add3A_149, %dma_wait3A_369] : memref<8192x512xf32, #tpu.memory_space<hbm>> -> memref<32x512xf32, #tpu.memory_space<hbm>>
      %dma_wait3A_371 = arith.constant 0 : i32
      %dma_wait3A_372 = tpu.memref_slice %arg6[%add3A_149, %dma_wait3A_371] : memref<8192x512xf32, #tpu.memory_space<hbm>> -> memref<32x512xf32, #tpu.memory_space<hbm>>
      %dma_wait3A_373 = arith.constant 0 : i32
      %dma_wait3A_374 = arith.constant 0 : i32
      %dma_wait3A_375 = tpu.memref_slice %arg9[%run_scoped3A_151, %dma_wait3A_373, %dma_wait3A_374] : memref<2x32x512xf32, #tpu.memory_space<vmem>> -> memref<1x32x512xf32, #tpu.memory_space<vmem>>
      %dma_wait3A_376 = tpu.memref_squeeze %dma_wait3A_375 : memref<1x32x512xf32, #tpu.memory_space<vmem>> -> memref<32x512xf32, #tpu.memory_space<vmem>>
      tpu.wait_dma2 semaphore(%run_scoped3A_352 : memref<!tpu.dma_semaphore, #tpu.memory_space<semaphore_mem>>) src(%dma_wait3A_376 : memref<32x512xf32, #tpu.memory_space<vmem>>) dst(%dma_wait3A_372 : memref<32x512xf32, #tpu.memory_space<hbm>>)
      tpu.yield
    }) : () -> ()
    %dma_start3A_152 = arith.constant 0 : i32
    %dma_start3A_153 = arith.constant 0 : i32
    %dma_start3A_154 = arith.constant 0 : i32
    %dma_start3A_155 = tpu.memref_slice %arg8[%dma_start3A_152, %dma_start3A_153, %dma_start3A_154] : memref<2x32x512xf32, #tpu.memory_space<vmem>> -> memref<1x32x512xf32, #tpu.memory_space<vmem>>
    %dma_start3A_156 = tpu.memref_squeeze %dma_start3A_155 : memref<1x32x512xf32, #tpu.memory_space<vmem>> -> memref<32x512xf32, #tpu.memory_space<vmem>>
    %dma_start3A_157 = arith.constant 128 : i32
    %dma_start3A_158 = tpu.memref_slice %arg7[%dma_start3A_157] : memref<256xi32, #tpu.memory_space<vmem>> -> memref<32xi32, #tpu.memory_space<vmem>>
    %dma_start3A_159 = arith.constant 0 : i32
    %dma_start3A_160 = arith.constant 0 : i32
    %dma_start3A_161 = tpu.memref_slice %arg2[%dma_start3A_159, %dma_start3A_160] : memref<65536x512xf32, #tpu.memory_space<hbm>> -> memref<65536x512xf32, #tpu.memory_space<hbm>>
    tpu.enqueue_indirect_dma source(%dma_start3A_161 : memref<65536x512xf32, #tpu.memory_space<hbm>>) target(%dma_start3A_156 : memref<32x512xf32, #tpu.memory_space<vmem>>) offsets(%dma_start3A_158 : memref<32xi32, #tpu.memory_space<vmem>>) semaphore(%arg10 : memref<!tpu.dma_semaphore, #tpu.memory_space<semaphore_mem>>)
    %dma_start3A_162 = arith.constant 0 : i32
    %dma_start3A_163 = arith.constant 0 : i32
    %dma_start3A_164 = arith.constant 0 : i32
    %dma_start3A_165 = tpu.memref_slice %arg9[%dma_start3A_162, %dma_start3A_163, %dma_start3A_164] : memref<2x32x512xf32, #tpu.memory_space<vmem>> -> memref<1x32x512xf32, #tpu.memory_space<vmem>>
    %dma_start3A_166 = tpu.memref_squeeze %dma_start3A_165 : memref<1x32x512xf32, #tpu.memory_space<vmem>> -> memref<32x512xf32, #tpu.memory_space<vmem>>
    %dma_start3A_167 = arith.constant 128 : i32
    %dma_start3A_168 = tpu.memref_slice %arg7[%dma_start3A_167] : memref<256xi32, #tpu.memory_space<vmem>> -> memref<32xi32, #tpu.memory_space<vmem>>
    %dma_start3A_169 = arith.constant 0 : i32
    %dma_start3A_170 = arith.constant 0 : i32
    %dma_start3A_171 = tpu.memref_slice %arg3[%dma_start3A_169, %dma_start3A_170] : memref<65536x512xf32, #tpu.memory_space<hbm>> -> memref<65536x512xf32, #tpu.memory_space<hbm>>
    tpu.enqueue_indirect_dma source(%dma_start3A_171 : memref<65536x512xf32, #tpu.memory_space<hbm>>) target(%dma_start3A_166 : memref<32x512xf32, #tpu.memory_space<vmem>>) offsets(%dma_start3A_168 : memref<32xi32, #tpu.memory_space<vmem>>) semaphore(%arg11 : memref<!tpu.dma_semaphore, #tpu.memory_space<semaphore_mem>>)
    %dma_wait3A_172 = arith.constant 1 : i32
    %dma_wait3A_173 = arith.constant 0 : i32
    %dma_wait3A_174 = arith.constant 0 : i32
    %dma_wait3A_175 = tpu.memref_slice %arg8[%dma_wait3A_172, %dma_wait3A_173, %dma_wait3A_174] : memref<2x32x512xf32, #tpu.memory_space<vmem>> -> memref<1x32x512xf32, #tpu.memory_space<vmem>>
    %dma_wait3A_176 = tpu.memref_squeeze %dma_wait3A_175 : memref<1x32x512xf32, #tpu.memory_space<vmem>> -> memref<32x512xf32, #tpu.memory_space<vmem>>
    %dma_wait3A_177 = arith.constant 96 : i32
    %dma_wait3A_178 = tpu.memref_slice %arg7[%dma_wait3A_177] : memref<256xi32, #tpu.memory_space<vmem>> -> memref<32xi32, #tpu.memory_space<vmem>>
    %dma_wait3A_179 = arith.constant 0 : i32
    %dma_wait3A_180 = arith.constant 0 : i32
    %dma_wait3A_181 = tpu.memref_slice %arg2[%dma_wait3A_179, %dma_wait3A_180] : memref<65536x512xf32, #tpu.memory_space<hbm>> -> memref<65536x512xf32, #tpu.memory_space<hbm>>
    tpu.wait_indirect_dma semaphore(%arg12 : memref<!tpu.dma_semaphore, #tpu.memory_space<semaphore_mem>>) src(%dma_wait3A_181 : memref<65536x512xf32, #tpu.memory_space<hbm>>) dst(%dma_wait3A_176 : memref<32x512xf32, #tpu.memory_space<vmem>>)
    %dma_wait3A_182 = arith.constant 1 : i32
    %dma_wait3A_183 = arith.constant 0 : i32
    %dma_wait3A_184 = arith.constant 0 : i32
    %dma_wait3A_185 = tpu.memref_slice %arg9[%dma_wait3A_182, %dma_wait3A_183, %dma_wait3A_184] : memref<2x32x512xf32, #tpu.memory_space<vmem>> -> memref<1x32x512xf32, #tpu.memory_space<vmem>>
    %dma_wait3A_186 = tpu.memref_squeeze %dma_wait3A_185 : memref<1x32x512xf32, #tpu.memory_space<vmem>> -> memref<32x512xf32, #tpu.memory_space<vmem>>
    %dma_wait3A_187 = arith.constant 96 : i32
    %dma_wait3A_188 = tpu.memref_slice %arg7[%dma_wait3A_187] : memref<256xi32, #tpu.memory_space<vmem>> -> memref<32xi32, #tpu.memory_space<vmem>>
    %dma_wait3A_189 = arith.constant 0 : i32
    %dma_wait3A_190 = arith.constant 0 : i32
    %dma_wait3A_191 = tpu.memref_slice %arg3[%dma_wait3A_189, %dma_wait3A_190] : memref<65536x512xf32, #tpu.memory_space<hbm>> -> memref<65536x512xf32, #tpu.memory_space<hbm>>
    tpu.wait_indirect_dma semaphore(%arg13 : memref<!tpu.dma_semaphore, #tpu.memory_space<semaphore_mem>>) src(%dma_wait3A_191 : memref<65536x512xf32, #tpu.memory_space<hbm>>) dst(%dma_wait3A_186 : memref<32x512xf32, #tpu.memory_space<vmem>>)
    %add3A_192 = arith.constant 96 : i32
    %add3A_193 = arith.addi %mul3A_2, %add3A_192 : i32
    %run_scoped3A_194 = arith.constant 1 : i32
    "tpu.region"() ({
      %run_scoped3A_352 = tpu.sem_alloc : memref<!tpu.dma_semaphore, #tpu.memory_space<semaphore_mem>>
      %dma_start3A_353 = arith.constant 0 : i32
      %dma_start3A_354 = arith.constant 0 : i32
      %dma_start3A_355 = tpu.memref_slice %arg8[%run_scoped3A_194, %dma_start3A_353, %dma_start3A_354] : memref<2x32x512xf32, #tpu.memory_space<vmem>> -> memref<1x32x512xf32, #tpu.memory_space<vmem>>
      %dma_start3A_356 = tpu.memref_squeeze %dma_start3A_355 : memref<1x32x512xf32, #tpu.memory_space<vmem>> -> memref<32x512xf32, #tpu.memory_space<vmem>>
      %dma_start3A_357 = arith.constant 0 : i32
      %dma_start3A_358 = tpu.memref_slice %arg5[%add3A_193, %dma_start3A_357] : memref<8192x512xf32, #tpu.memory_space<hbm>> -> memref<32x512xf32, #tpu.memory_space<hbm>>
      %dma_start3A_359 = arith.constant 0 : i32
      %dma_start3A_360 = tpu.memref_slice %arg5[%add3A_193, %dma_start3A_359] : memref<8192x512xf32, #tpu.memory_space<hbm>> -> memref<32x512xf32, #tpu.memory_space<hbm>>
      %dma_start3A_361 = arith.constant 0 : i32
      %dma_start3A_362 = arith.constant 0 : i32
      %dma_start3A_363 = tpu.memref_slice %arg8[%run_scoped3A_194, %dma_start3A_361, %dma_start3A_362] : memref<2x32x512xf32, #tpu.memory_space<vmem>> -> memref<1x32x512xf32, #tpu.memory_space<vmem>>
      %dma_start3A_364 = tpu.memref_squeeze %dma_start3A_363 : memref<1x32x512xf32, #tpu.memory_space<vmem>> -> memref<32x512xf32, #tpu.memory_space<vmem>>
      tpu.enqueue_dma source(%dma_start3A_364 : memref<32x512xf32, #tpu.memory_space<vmem>>) target(%dma_start3A_360 : memref<32x512xf32, #tpu.memory_space<hbm>>) target_semaphore(%run_scoped3A_352 : memref<!tpu.dma_semaphore, #tpu.memory_space<semaphore_mem>>)
      %dma_wait3A_365 = arith.constant 0 : i32
      %dma_wait3A_366 = arith.constant 0 : i32
      %dma_wait3A_367 = tpu.memref_slice %arg8[%run_scoped3A_194, %dma_wait3A_365, %dma_wait3A_366] : memref<2x32x512xf32, #tpu.memory_space<vmem>> -> memref<1x32x512xf32, #tpu.memory_space<vmem>>
      %dma_wait3A_368 = tpu.memref_squeeze %dma_wait3A_367 : memref<1x32x512xf32, #tpu.memory_space<vmem>> -> memref<32x512xf32, #tpu.memory_space<vmem>>
      %dma_wait3A_369 = arith.constant 0 : i32
      %dma_wait3A_370 = tpu.memref_slice %arg5[%add3A_193, %dma_wait3A_369] : memref<8192x512xf32, #tpu.memory_space<hbm>> -> memref<32x512xf32, #tpu.memory_space<hbm>>
      %dma_wait3A_371 = arith.constant 0 : i32
      %dma_wait3A_372 = tpu.memref_slice %arg5[%add3A_193, %dma_wait3A_371] : memref<8192x512xf32, #tpu.memory_space<hbm>> -> memref<32x512xf32, #tpu.memory_space<hbm>>
      %dma_wait3A_373 = arith.constant 0 : i32
      %dma_wait3A_374 = arith.constant 0 : i32
      %dma_wait3A_375 = tpu.memref_slice %arg8[%run_scoped3A_194, %dma_wait3A_373, %dma_wait3A_374] : memref<2x32x512xf32, #tpu.memory_space<vmem>> -> memref<1x32x512xf32, #tpu.memory_space<vmem>>
      %dma_wait3A_376 = tpu.memref_squeeze %dma_wait3A_375 : memref<1x32x512xf32, #tpu.memory_space<vmem>> -> memref<32x512xf32, #tpu.memory_space<vmem>>
      tpu.wait_dma2 semaphore(%run_scoped3A_352 : memref<!tpu.dma_semaphore, #tpu.memory_space<semaphore_mem>>) src(%dma_wait3A_376 : memref<32x512xf32, #tpu.memory_space<vmem>>) dst(%dma_wait3A_372 : memref<32x512xf32, #tpu.memory_space<hbm>>)
      tpu.yield
    }) : () -> ()
    %run_scoped3A_195 = arith.constant 1 : i32
    "tpu.region"() ({
      %run_scoped3A_352 = tpu.sem_alloc : memref<!tpu.dma_semaphore, #tpu.memory_space<semaphore_mem>>
      %dma_start3A_353 = arith.constant 0 : i32
      %dma_start3A_354 = arith.constant 0 : i32
      %dma_start3A_355 = tpu.memref_slice %arg9[%run_scoped3A_195, %dma_start3A_353, %dma_start3A_354] : memref<2x32x512xf32, #tpu.memory_space<vmem>> -> memref<1x32x512xf32, #tpu.memory_space<vmem>>
      %dma_start3A_356 = tpu.memref_squeeze %dma_start3A_355 : memref<1x32x512xf32, #tpu.memory_space<vmem>> -> memref<32x512xf32, #tpu.memory_space<vmem>>
      %dma_start3A_357 = arith.constant 0 : i32
      %dma_start3A_358 = tpu.memref_slice %arg6[%add3A_193, %dma_start3A_357] : memref<8192x512xf32, #tpu.memory_space<hbm>> -> memref<32x512xf32, #tpu.memory_space<hbm>>
      %dma_start3A_359 = arith.constant 0 : i32
      %dma_start3A_360 = tpu.memref_slice %arg6[%add3A_193, %dma_start3A_359] : memref<8192x512xf32, #tpu.memory_space<hbm>> -> memref<32x512xf32, #tpu.memory_space<hbm>>
      %dma_start3A_361 = arith.constant 0 : i32
      %dma_start3A_362 = arith.constant 0 : i32
      %dma_start3A_363 = tpu.memref_slice %arg9[%run_scoped3A_195, %dma_start3A_361, %dma_start3A_362] : memref<2x32x512xf32, #tpu.memory_space<vmem>> -> memref<1x32x512xf32, #tpu.memory_space<vmem>>
      %dma_start3A_364 = tpu.memref_squeeze %dma_start3A_363 : memref<1x32x512xf32, #tpu.memory_space<vmem>> -> memref<32x512xf32, #tpu.memory_space<vmem>>
      tpu.enqueue_dma source(%dma_start3A_364 : memref<32x512xf32, #tpu.memory_space<vmem>>) target(%dma_start3A_360 : memref<32x512xf32, #tpu.memory_space<hbm>>) target_semaphore(%run_scoped3A_352 : memref<!tpu.dma_semaphore, #tpu.memory_space<semaphore_mem>>)
      %dma_wait3A_365 = arith.constant 0 : i32
      %dma_wait3A_366 = arith.constant 0 : i32
      %dma_wait3A_367 = tpu.memref_slice %arg9[%run_scoped3A_195, %dma_wait3A_365, %dma_wait3A_366] : memref<2x32x512xf32, #tpu.memory_space<vmem>> -> memref<1x32x512xf32, #tpu.memory_space<vmem>>
      %dma_wait3A_368 = tpu.memref_squeeze %dma_wait3A_367 : memref<1x32x512xf32, #tpu.memory_space<vmem>> -> memref<32x512xf32, #tpu.memory_space<vmem>>
      %dma_wait3A_369 = arith.constant 0 : i32
      %dma_wait3A_370 = tpu.memref_slice %arg6[%add3A_193, %dma_wait3A_369] : memref<8192x512xf32, #tpu.memory_space<hbm>> -> memref<32x512xf32, #tpu.memory_space<hbm>>
      %dma_wait3A_371 = arith.constant 0 : i32
      %dma_wait3A_372 = tpu.memref_slice %arg6[%add3A_193, %dma_wait3A_371] : memref<8192x512xf32, #tpu.memory_space<hbm>> -> memref<32x512xf32, #tpu.memory_space<hbm>>
      %dma_wait3A_373 = arith.constant 0 : i32
      %dma_wait3A_374 = arith.constant 0 : i32
      %dma_wait3A_375 = tpu.memref_slice %arg9[%run_scoped3A_195, %dma_wait3A_373, %dma_wait3A_374] : memref<2x32x512xf32, #tpu.memory_space<vmem>> -> memref<1x32x512xf32, #tpu.memory_space<vmem>>
      %dma_wait3A_376 = tpu.memref_squeeze %dma_wait3A_375 : memref<1x32x512xf32, #tpu.memory_space<vmem>> -> memref<32x512xf32, #tpu.memory_space<vmem>>
      tpu.wait_dma2 semaphore(%run_scoped3A_352 : memref<!tpu.dma_semaphore, #tpu.memory_space<semaphore_mem>>) src(%dma_wait3A_376 : memref<32x512xf32, #tpu.memory_space<vmem>>) dst(%dma_wait3A_372 : memref<32x512xf32, #tpu.memory_space<hbm>>)
      tpu.yield
    }) : () -> ()
    %dma_start3A_196 = arith.constant 1 : i32
    %dma_start3A_197 = arith.constant 0 : i32
    %dma_start3A_198 = arith.constant 0 : i32
    %dma_start3A_199 = tpu.memref_slice %arg8[%dma_start3A_196, %dma_start3A_197, %dma_start3A_198] : memref<2x32x512xf32, #tpu.memory_space<vmem>> -> memref<1x32x512xf32, #tpu.memory_space<vmem>>
    %dma_start3A_200 = tpu.memref_squeeze %dma_start3A_199 : memref<1x32x512xf32, #tpu.memory_space<vmem>> -> memref<32x512xf32, #tpu.memory_space<vmem>>
    %dma_start3A_201 = arith.constant 160 : i32
    %dma_start3A_202 = tpu.memref_slice %arg7[%dma_start3A_201] : memref<256xi32, #tpu.memory_space<vmem>> -> memref<32xi32, #tpu.memory_space<vmem>>
    %dma_start3A_203 = arith.constant 0 : i32
    %dma_start3A_204 = arith.constant 0 : i32
    %dma_start3A_205 = tpu.memref_slice %arg2[%dma_start3A_203, %dma_start3A_204] : memref<65536x512xf32, #tpu.memory_space<hbm>> -> memref<65536x512xf32, #tpu.memory_space<hbm>>
    tpu.enqueue_indirect_dma source(%dma_start3A_205 : memref<65536x512xf32, #tpu.memory_space<hbm>>) target(%dma_start3A_200 : memref<32x512xf32, #tpu.memory_space<vmem>>) offsets(%dma_start3A_202 : memref<32xi32, #tpu.memory_space<vmem>>) semaphore(%arg12 : memref<!tpu.dma_semaphore, #tpu.memory_space<semaphore_mem>>)
    %dma_start3A_206 = arith.constant 1 : i32
    %dma_start3A_207 = arith.constant 0 : i32
    %dma_start3A_208 = arith.constant 0 : i32
    %dma_start3A_209 = tpu.memref_slice %arg9[%dma_start3A_206, %dma_start3A_207, %dma_start3A_208] : memref<2x32x512xf32, #tpu.memory_space<vmem>> -> memref<1x32x512xf32, #tpu.memory_space<vmem>>
    %dma_start3A_210 = tpu.memref_squeeze %dma_start3A_209 : memref<1x32x512xf32, #tpu.memory_space<vmem>> -> memref<32x512xf32, #tpu.memory_space<vmem>>
    %dma_start3A_211 = arith.constant 160 : i32
    %dma_start3A_212 = tpu.memref_slice %arg7[%dma_start3A_211] : memref<256xi32, #tpu.memory_space<vmem>> -> memref<32xi32, #tpu.memory_space<vmem>>
    %dma_start3A_213 = arith.constant 0 : i32
    %dma_start3A_214 = arith.constant 0 : i32
    %dma_start3A_215 = tpu.memref_slice %arg3[%dma_start3A_213, %dma_start3A_214] : memref<65536x512xf32, #tpu.memory_space<hbm>> -> memref<65536x512xf32, #tpu.memory_space<hbm>>
    tpu.enqueue_indirect_dma source(%dma_start3A_215 : memref<65536x512xf32, #tpu.memory_space<hbm>>) target(%dma_start3A_210 : memref<32x512xf32, #tpu.memory_space<vmem>>) offsets(%dma_start3A_212 : memref<32xi32, #tpu.memory_space<vmem>>) semaphore(%arg13 : memref<!tpu.dma_semaphore, #tpu.memory_space<semaphore_mem>>)
    %dma_wait3A_216 = arith.constant 0 : i32
    %dma_wait3A_217 = arith.constant 0 : i32
    %dma_wait3A_218 = arith.constant 0 : i32
    %dma_wait3A_219 = tpu.memref_slice %arg8[%dma_wait3A_216, %dma_wait3A_217, %dma_wait3A_218] : memref<2x32x512xf32, #tpu.memory_space<vmem>> -> memref<1x32x512xf32, #tpu.memory_space<vmem>>
    %dma_wait3A_220 = tpu.memref_squeeze %dma_wait3A_219 : memref<1x32x512xf32, #tpu.memory_space<vmem>> -> memref<32x512xf32, #tpu.memory_space<vmem>>
    %dma_wait3A_221 = arith.constant 128 : i32
    %dma_wait3A_222 = tpu.memref_slice %arg7[%dma_wait3A_221] : memref<256xi32, #tpu.memory_space<vmem>> -> memref<32xi32, #tpu.memory_space<vmem>>
    %dma_wait3A_223 = arith.constant 0 : i32
    %dma_wait3A_224 = arith.constant 0 : i32
    %dma_wait3A_225 = tpu.memref_slice %arg2[%dma_wait3A_223, %dma_wait3A_224] : memref<65536x512xf32, #tpu.memory_space<hbm>> -> memref<65536x512xf32, #tpu.memory_space<hbm>>
    tpu.wait_indirect_dma semaphore(%arg10 : memref<!tpu.dma_semaphore, #tpu.memory_space<semaphore_mem>>) src(%dma_wait3A_225 : memref<65536x512xf32, #tpu.memory_space<hbm>>) dst(%dma_wait3A_220 : memref<32x512xf32, #tpu.memory_space<vmem>>)
    %dma_wait3A_226 = arith.constant 0 : i32
    %dma_wait3A_227 = arith.constant 0 : i32
    %dma_wait3A_228 = arith.constant 0 : i32
    %dma_wait3A_229 = tpu.memref_slice %arg9[%dma_wait3A_226, %dma_wait3A_227, %dma_wait3A_228] : memref<2x32x512xf32, #tpu.memory_space<vmem>> -> memref<1x32x512xf32, #tpu.memory_space<vmem>>
    %dma_wait3A_230 = tpu.memref_squeeze %dma_wait3A_229 : memref<1x32x512xf32, #tpu.memory_space<vmem>> -> memref<32x512xf32, #tpu.memory_space<vmem>>
    %dma_wait3A_231 = arith.constant 128 : i32
    %dma_wait3A_232 = tpu.memref_slice %arg7[%dma_wait3A_231] : memref<256xi32, #tpu.memory_space<vmem>> -> memref<32xi32, #tpu.memory_space<vmem>>
    %dma_wait3A_233 = arith.constant 0 : i32
    %dma_wait3A_234 = arith.constant 0 : i32
    %dma_wait3A_235 = tpu.memref_slice %arg3[%dma_wait3A_233, %dma_wait3A_234] : memref<65536x512xf32, #tpu.memory_space<hbm>> -> memref<65536x512xf32, #tpu.memory_space<hbm>>
    tpu.wait_indirect_dma semaphore(%arg11 : memref<!tpu.dma_semaphore, #tpu.memory_space<semaphore_mem>>) src(%dma_wait3A_235 : memref<65536x512xf32, #tpu.memory_space<hbm>>) dst(%dma_wait3A_230 : memref<32x512xf32, #tpu.memory_space<vmem>>)
    %add3A_236 = arith.constant 128 : i32
    %add3A_237 = arith.addi %mul3A_2, %add3A_236 : i32
    %run_scoped3A_238 = arith.constant 0 : i32
    "tpu.region"() ({
      %run_scoped3A_352 = tpu.sem_alloc : memref<!tpu.dma_semaphore, #tpu.memory_space<semaphore_mem>>
      %dma_start3A_353 = arith.constant 0 : i32
      %dma_start3A_354 = arith.constant 0 : i32
      %dma_start3A_355 = tpu.memref_slice %arg8[%run_scoped3A_238, %dma_start3A_353, %dma_start3A_354] : memref<2x32x512xf32, #tpu.memory_space<vmem>> -> memref<1x32x512xf32, #tpu.memory_space<vmem>>
      %dma_start3A_356 = tpu.memref_squeeze %dma_start3A_355 : memref<1x32x512xf32, #tpu.memory_space<vmem>> -> memref<32x512xf32, #tpu.memory_space<vmem>>
      %dma_start3A_357 = arith.constant 0 : i32
      %dma_start3A_358 = tpu.memref_slice %arg5[%add3A_237, %dma_start3A_357] : memref<8192x512xf32, #tpu.memory_space<hbm>> -> memref<32x512xf32, #tpu.memory_space<hbm>>
      %dma_start3A_359 = arith.constant 0 : i32
      %dma_start3A_360 = tpu.memref_slice %arg5[%add3A_237, %dma_start3A_359] : memref<8192x512xf32, #tpu.memory_space<hbm>> -> memref<32x512xf32, #tpu.memory_space<hbm>>
      %dma_start3A_361 = arith.constant 0 : i32
      %dma_start3A_362 = arith.constant 0 : i32
      %dma_start3A_363 = tpu.memref_slice %arg8[%run_scoped3A_238, %dma_start3A_361, %dma_start3A_362] : memref<2x32x512xf32, #tpu.memory_space<vmem>> -> memref<1x32x512xf32, #tpu.memory_space<vmem>>
      %dma_start3A_364 = tpu.memref_squeeze %dma_start3A_363 : memref<1x32x512xf32, #tpu.memory_space<vmem>> -> memref<32x512xf32, #tpu.memory_space<vmem>>
      tpu.enqueue_dma source(%dma_start3A_364 : memref<32x512xf32, #tpu.memory_space<vmem>>) target(%dma_start3A_360 : memref<32x512xf32, #tpu.memory_space<hbm>>) target_semaphore(%run_scoped3A_352 : memref<!tpu.dma_semaphore, #tpu.memory_space<semaphore_mem>>)
      %dma_wait3A_365 = arith.constant 0 : i32
      %dma_wait3A_366 = arith.constant 0 : i32
      %dma_wait3A_367 = tpu.memref_slice %arg8[%run_scoped3A_238, %dma_wait3A_365, %dma_wait3A_366] : memref<2x32x512xf32, #tpu.memory_space<vmem>> -> memref<1x32x512xf32, #tpu.memory_space<vmem>>
      %dma_wait3A_368 = tpu.memref_squeeze %dma_wait3A_367 : memref<1x32x512xf32, #tpu.memory_space<vmem>> -> memref<32x512xf32, #tpu.memory_space<vmem>>
      %dma_wait3A_369 = arith.constant 0 : i32
      %dma_wait3A_370 = tpu.memref_slice %arg5[%add3A_237, %dma_wait3A_369] : memref<8192x512xf32, #tpu.memory_space<hbm>> -> memref<32x512xf32, #tpu.memory_space<hbm>>
      %dma_wait3A_371 = arith.constant 0 : i32
      %dma_wait3A_372 = tpu.memref_slice %arg5[%add3A_237, %dma_wait3A_371] : memref<8192x512xf32, #tpu.memory_space<hbm>> -> memref<32x512xf32, #tpu.memory_space<hbm>>
      %dma_wait3A_373 = arith.constant 0 : i32
      %dma_wait3A_374 = arith.constant 0 : i32
      %dma_wait3A_375 = tpu.memref_slice %arg8[%run_scoped3A_238, %dma_wait3A_373, %dma_wait3A_374] : memref<2x32x512xf32, #tpu.memory_space<vmem>> -> memref<1x32x512xf32, #tpu.memory_space<vmem>>
      %dma_wait3A_376 = tpu.memref_squeeze %dma_wait3A_375 : memref<1x32x512xf32, #tpu.memory_space<vmem>> -> memref<32x512xf32, #tpu.memory_space<vmem>>
      tpu.wait_dma2 semaphore(%run_scoped3A_352 : memref<!tpu.dma_semaphore, #tpu.memory_space<semaphore_mem>>) src(%dma_wait3A_376 : memref<32x512xf32, #tpu.memory_space<vmem>>) dst(%dma_wait3A_372 : memref<32x512xf32, #tpu.memory_space<hbm>>)
      tpu.yield
    }) : () -> ()
    %run_scoped3A_239 = arith.constant 0 : i32
    "tpu.region"() ({
      %run_scoped3A_352 = tpu.sem_alloc : memref<!tpu.dma_semaphore, #tpu.memory_space<semaphore_mem>>
      %dma_start3A_353 = arith.constant 0 : i32
      %dma_start3A_354 = arith.constant 0 : i32
      %dma_start3A_355 = tpu.memref_slice %arg9[%run_scoped3A_239, %dma_start3A_353, %dma_start3A_354] : memref<2x32x512xf32, #tpu.memory_space<vmem>> -> memref<1x32x512xf32, #tpu.memory_space<vmem>>
      %dma_start3A_356 = tpu.memref_squeeze %dma_start3A_355 : memref<1x32x512xf32, #tpu.memory_space<vmem>> -> memref<32x512xf32, #tpu.memory_space<vmem>>
      %dma_start3A_357 = arith.constant 0 : i32
      %dma_start3A_358 = tpu.memref_slice %arg6[%add3A_237, %dma_start3A_357] : memref<8192x512xf32, #tpu.memory_space<hbm>> -> memref<32x512xf32, #tpu.memory_space<hbm>>
      %dma_start3A_359 = arith.constant 0 : i32
      %dma_start3A_360 = tpu.memref_slice %arg6[%add3A_237, %dma_start3A_359] : memref<8192x512xf32, #tpu.memory_space<hbm>> -> memref<32x512xf32, #tpu.memory_space<hbm>>
      %dma_start3A_361 = arith.constant 0 : i32
      %dma_start3A_362 = arith.constant 0 : i32
      %dma_start3A_363 = tpu.memref_slice %arg9[%run_scoped3A_239, %dma_start3A_361, %dma_start3A_362] : memref<2x32x512xf32, #tpu.memory_space<vmem>> -> memref<1x32x512xf32, #tpu.memory_space<vmem>>
      %dma_start3A_364 = tpu.memref_squeeze %dma_start3A_363 : memref<1x32x512xf32, #tpu.memory_space<vmem>> -> memref<32x512xf32, #tpu.memory_space<vmem>>
      tpu.enqueue_dma source(%dma_start3A_364 : memref<32x512xf32, #tpu.memory_space<vmem>>) target(%dma_start3A_360 : memref<32x512xf32, #tpu.memory_space<hbm>>) target_semaphore(%run_scoped3A_352 : memref<!tpu.dma_semaphore, #tpu.memory_space<semaphore_mem>>)
      %dma_wait3A_365 = arith.constant 0 : i32
      %dma_wait3A_366 = arith.constant 0 : i32
      %dma_wait3A_367 = tpu.memref_slice %arg9[%run_scoped3A_239, %dma_wait3A_365, %dma_wait3A_366] : memref<2x32x512xf32, #tpu.memory_space<vmem>> -> memref<1x32x512xf32, #tpu.memory_space<vmem>>
      %dma_wait3A_368 = tpu.memref_squeeze %dma_wait3A_367 : memref<1x32x512xf32, #tpu.memory_space<vmem>> -> memref<32x512xf32, #tpu.memory_space<vmem>>
      %dma_wait3A_369 = arith.constant 0 : i32
      %dma_wait3A_370 = tpu.memref_slice %arg6[%add3A_237, %dma_wait3A_369] : memref<8192x512xf32, #tpu.memory_space<hbm>> -> memref<32x512xf32, #tpu.memory_space<hbm>>
      %dma_wait3A_371 = arith.constant 0 : i32
      %dma_wait3A_372 = tpu.memref_slice %arg6[%add3A_237, %dma_wait3A_371] : memref<8192x512xf32, #tpu.memory_space<hbm>> -> memref<32x512xf32, #tpu.memory_space<hbm>>
      %dma_wait3A_373 = arith.constant 0 : i32
      %dma_wait3A_374 = arith.constant 0 : i32
      %dma_wait3A_375 = tpu.memref_slice %arg9[%run_scoped3A_239, %dma_wait3A_373, %dma_wait3A_374] : memref<2x32x512xf32, #tpu.memory_space<vmem>> -> memref<1x32x512xf32, #tpu.memory_space<vmem>>
      %dma_wait3A_376 = tpu.memref_squeeze %dma_wait3A_375 : memref<1x32x512xf32, #tpu.memory_space<vmem>> -> memref<32x512xf32, #tpu.memory_space<vmem>>
      tpu.wait_dma2 semaphore(%run_scoped3A_352 : memref<!tpu.dma_semaphore, #tpu.memory_space<semaphore_mem>>) src(%dma_wait3A_376 : memref<32x512xf32, #tpu.memory_space<vmem>>) dst(%dma_wait3A_372 : memref<32x512xf32, #tpu.memory_space<hbm>>)
      tpu.yield
    }) : () -> ()
    %dma_start3A_240 = arith.constant 0 : i32
    %dma_start3A_241 = arith.constant 0 : i32
    %dma_start3A_242 = arith.constant 0 : i32
    %dma_start3A_243 = tpu.memref_slice %arg8[%dma_start3A_240, %dma_start3A_241, %dma_start3A_242] : memref<2x32x512xf32, #tpu.memory_space<vmem>> -> memref<1x32x512xf32, #tpu.memory_space<vmem>>
    %dma_start3A_244 = tpu.memref_squeeze %dma_start3A_243 : memref<1x32x512xf32, #tpu.memory_space<vmem>> -> memref<32x512xf32, #tpu.memory_space<vmem>>
    %dma_start3A_245 = arith.constant 192 : i32
    %dma_start3A_246 = tpu.memref_slice %arg7[%dma_start3A_245] : memref<256xi32, #tpu.memory_space<vmem>> -> memref<32xi32, #tpu.memory_space<vmem>>
    %dma_start3A_247 = arith.constant 0 : i32
    %dma_start3A_248 = arith.constant 0 : i32
    %dma_start3A_249 = tpu.memref_slice %arg2[%dma_start3A_247, %dma_start3A_248] : memref<65536x512xf32, #tpu.memory_space<hbm>> -> memref<65536x512xf32, #tpu.memory_space<hbm>>
    tpu.enqueue_indirect_dma source(%dma_start3A_249 : memref<65536x512xf32, #tpu.memory_space<hbm>>) target(%dma_start3A_244 : memref<32x512xf32, #tpu.memory_space<vmem>>) offsets(%dma_start3A_246 : memref<32xi32, #tpu.memory_space<vmem>>) semaphore(%arg10 : memref<!tpu.dma_semaphore, #tpu.memory_space<semaphore_mem>>)
    %dma_start3A_250 = arith.constant 0 : i32
    %dma_start3A_251 = arith.constant 0 : i32
    %dma_start3A_252 = arith.constant 0 : i32
    %dma_start3A_253 = tpu.memref_slice %arg9[%dma_start3A_250, %dma_start3A_251, %dma_start3A_252] : memref<2x32x512xf32, #tpu.memory_space<vmem>> -> memref<1x32x512xf32, #tpu.memory_space<vmem>>
    %dma_start3A_254 = tpu.memref_squeeze %dma_start3A_253 : memref<1x32x512xf32, #tpu.memory_space<vmem>> -> memref<32x512xf32, #tpu.memory_space<vmem>>
    %dma_start3A_255 = arith.constant 192 : i32
    %dma_start3A_256 = tpu.memref_slice %arg7[%dma_start3A_255] : memref<256xi32, #tpu.memory_space<vmem>> -> memref<32xi32, #tpu.memory_space<vmem>>
    %dma_start3A_257 = arith.constant 0 : i32
    %dma_start3A_258 = arith.constant 0 : i32
    %dma_start3A_259 = tpu.memref_slice %arg3[%dma_start3A_257, %dma_start3A_258] : memref<65536x512xf32, #tpu.memory_space<hbm>> -> memref<65536x512xf32, #tpu.memory_space<hbm>>
    tpu.enqueue_indirect_dma source(%dma_start3A_259 : memref<65536x512xf32, #tpu.memory_space<hbm>>) target(%dma_start3A_254 : memref<32x512xf32, #tpu.memory_space<vmem>>) offsets(%dma_start3A_256 : memref<32xi32, #tpu.memory_space<vmem>>) semaphore(%arg11 : memref<!tpu.dma_semaphore, #tpu.memory_space<semaphore_mem>>)
    %dma_wait3A_260 = arith.constant 1 : i32
    %dma_wait3A_261 = arith.constant 0 : i32
    %dma_wait3A_262 = arith.constant 0 : i32
    %dma_wait3A_263 = tpu.memref_slice %arg8[%dma_wait3A_260, %dma_wait3A_261, %dma_wait3A_262] : memref<2x32x512xf32, #tpu.memory_space<vmem>> -> memref<1x32x512xf32, #tpu.memory_space<vmem>>
    %dma_wait3A_264 = tpu.memref_squeeze %dma_wait3A_263 : memref<1x32x512xf32, #tpu.memory_space<vmem>> -> memref<32x512xf32, #tpu.memory_space<vmem>>
    %dma_wait3A_265 = arith.constant 160 : i32
    %dma_wait3A_266 = tpu.memref_slice %arg7[%dma_wait3A_265] : memref<256xi32, #tpu.memory_space<vmem>> -> memref<32xi32, #tpu.memory_space<vmem>>
    %dma_wait3A_267 = arith.constant 0 : i32
    %dma_wait3A_268 = arith.constant 0 : i32
    %dma_wait3A_269 = tpu.memref_slice %arg2[%dma_wait3A_267, %dma_wait3A_268] : memref<65536x512xf32, #tpu.memory_space<hbm>> -> memref<65536x512xf32, #tpu.memory_space<hbm>>
    tpu.wait_indirect_dma semaphore(%arg12 : memref<!tpu.dma_semaphore, #tpu.memory_space<semaphore_mem>>) src(%dma_wait3A_269 : memref<65536x512xf32, #tpu.memory_space<hbm>>) dst(%dma_wait3A_264 : memref<32x512xf32, #tpu.memory_space<vmem>>)
    %dma_wait3A_270 = arith.constant 1 : i32
    %dma_wait3A_271 = arith.constant 0 : i32
    %dma_wait3A_272 = arith.constant 0 : i32
    %dma_wait3A_273 = tpu.memref_slice %arg9[%dma_wait3A_270, %dma_wait3A_271, %dma_wait3A_272] : memref<2x32x512xf32, #tpu.memory_space<vmem>> -> memref<1x32x512xf32, #tpu.memory_space<vmem>>
    %dma_wait3A_274 = tpu.memref_squeeze %dma_wait3A_273 : memref<1x32x512xf32, #tpu.memory_space<vmem>> -> memref<32x512xf32, #tpu.memory_space<vmem>>
    %dma_wait3A_275 = arith.constant 160 : i32
    %dma_wait3A_276 = tpu.memref_slice %arg7[%dma_wait3A_275] : memref<256xi32, #tpu.memory_space<vmem>> -> memref<32xi32, #tpu.memory_space<vmem>>
    %dma_wait3A_277 = arith.constant 0 : i32
    %dma_wait3A_278 = arith.constant 0 : i32
    %dma_wait3A_279 = tpu.memref_slice %arg3[%dma_wait3A_277, %dma_wait3A_278] : memref<65536x512xf32, #tpu.memory_space<hbm>> -> memref<65536x512xf32, #tpu.memory_space<hbm>>
    tpu.wait_indirect_dma semaphore(%arg13 : memref<!tpu.dma_semaphore, #tpu.memory_space<semaphore_mem>>) src(%dma_wait3A_279 : memref<65536x512xf32, #tpu.memory_space<hbm>>) dst(%dma_wait3A_274 : memref<32x512xf32, #tpu.memory_space<vmem>>)
    %add3A_280 = arith.constant 160 : i32
    %add3A_281 = arith.addi %mul3A_2, %add3A_280 : i32
    %run_scoped3A_282 = arith.constant 1 : i32
    "tpu.region"() ({
      %run_scoped3A_352 = tpu.sem_alloc : memref<!tpu.dma_semaphore, #tpu.memory_space<semaphore_mem>>
      %dma_start3A_353 = arith.constant 0 : i32
      %dma_start3A_354 = arith.constant 0 : i32
      %dma_start3A_355 = tpu.memref_slice %arg8[%run_scoped3A_282, %dma_start3A_353, %dma_start3A_354] : memref<2x32x512xf32, #tpu.memory_space<vmem>> -> memref<1x32x512xf32, #tpu.memory_space<vmem>>
      %dma_start3A_356 = tpu.memref_squeeze %dma_start3A_355 : memref<1x32x512xf32, #tpu.memory_space<vmem>> -> memref<32x512xf32, #tpu.memory_space<vmem>>
      %dma_start3A_357 = arith.constant 0 : i32
      %dma_start3A_358 = tpu.memref_slice %arg5[%add3A_281, %dma_start3A_357] : memref<8192x512xf32, #tpu.memory_space<hbm>> -> memref<32x512xf32, #tpu.memory_space<hbm>>
      %dma_start3A_359 = arith.constant 0 : i32
      %dma_start3A_360 = tpu.memref_slice %arg5[%add3A_281, %dma_start3A_359] : memref<8192x512xf32, #tpu.memory_space<hbm>> -> memref<32x512xf32, #tpu.memory_space<hbm>>
      %dma_start3A_361 = arith.constant 0 : i32
      %dma_start3A_362 = arith.constant 0 : i32
      %dma_start3A_363 = tpu.memref_slice %arg8[%run_scoped3A_282, %dma_start3A_361, %dma_start3A_362] : memref<2x32x512xf32, #tpu.memory_space<vmem>> -> memref<1x32x512xf32, #tpu.memory_space<vmem>>
      %dma_start3A_364 = tpu.memref_squeeze %dma_start3A_363 : memref<1x32x512xf32, #tpu.memory_space<vmem>> -> memref<32x512xf32, #tpu.memory_space<vmem>>
      tpu.enqueue_dma source(%dma_start3A_364 : memref<32x512xf32, #tpu.memory_space<vmem>>) target(%dma_start3A_360 : memref<32x512xf32, #tpu.memory_space<hbm>>) target_semaphore(%run_scoped3A_352 : memref<!tpu.dma_semaphore, #tpu.memory_space<semaphore_mem>>)
      %dma_wait3A_365 = arith.constant 0 : i32
      %dma_wait3A_366 = arith.constant 0 : i32
      %dma_wait3A_367 = tpu.memref_slice %arg8[%run_scoped3A_282, %dma_wait3A_365, %dma_wait3A_366] : memref<2x32x512xf32, #tpu.memory_space<vmem>> -> memref<1x32x512xf32, #tpu.memory_space<vmem>>
      %dma_wait3A_368 = tpu.memref_squeeze %dma_wait3A_367 : memref<1x32x512xf32, #tpu.memory_space<vmem>> -> memref<32x512xf32, #tpu.memory_space<vmem>>
      %dma_wait3A_369 = arith.constant 0 : i32
      %dma_wait3A_370 = tpu.memref_slice %arg5[%add3A_281, %dma_wait3A_369] : memref<8192x512xf32, #tpu.memory_space<hbm>> -> memref<32x512xf32, #tpu.memory_space<hbm>>
      %dma_wait3A_371 = arith.constant 0 : i32
      %dma_wait3A_372 = tpu.memref_slice %arg5[%add3A_281, %dma_wait3A_371] : memref<8192x512xf32, #tpu.memory_space<hbm>> -> memref<32x512xf32, #tpu.memory_space<hbm>>
      %dma_wait3A_373 = arith.constant 0 : i32
      %dma_wait3A_374 = arith.constant 0 : i32
      %dma_wait3A_375 = tpu.memref_slice %arg8[%run_scoped3A_282, %dma_wait3A_373, %dma_wait3A_374] : memref<2x32x512xf32, #tpu.memory_space<vmem>> -> memref<1x32x512xf32, #tpu.memory_space<vmem>>
      %dma_wait3A_376 = tpu.memref_squeeze %dma_wait3A_375 : memref<1x32x512xf32, #tpu.memory_space<vmem>> -> memref<32x512xf32, #tpu.memory_space<vmem>>
      tpu.wait_dma2 semaphore(%run_scoped3A_352 : memref<!tpu.dma_semaphore, #tpu.memory_space<semaphore_mem>>) src(%dma_wait3A_376 : memref<32x512xf32, #tpu.memory_space<vmem>>) dst(%dma_wait3A_372 : memref<32x512xf32, #tpu.memory_space<hbm>>)
      tpu.yield
    }) : () -> ()
    %run_scoped3A_283 = arith.constant 1 : i32
    "tpu.region"() ({
      %run_scoped3A_352 = tpu.sem_alloc : memref<!tpu.dma_semaphore, #tpu.memory_space<semaphore_mem>>
      %dma_start3A_353 = arith.constant 0 : i32
      %dma_start3A_354 = arith.constant 0 : i32
      %dma_start3A_355 = tpu.memref_slice %arg9[%run_scoped3A_283, %dma_start3A_353, %dma_start3A_354] : memref<2x32x512xf32, #tpu.memory_space<vmem>> -> memref<1x32x512xf32, #tpu.memory_space<vmem>>
      %dma_start3A_356 = tpu.memref_squeeze %dma_start3A_355 : memref<1x32x512xf32, #tpu.memory_space<vmem>> -> memref<32x512xf32, #tpu.memory_space<vmem>>
      %dma_start3A_357 = arith.constant 0 : i32
      %dma_start3A_358 = tpu.memref_slice %arg6[%add3A_281, %dma_start3A_357] : memref<8192x512xf32, #tpu.memory_space<hbm>> -> memref<32x512xf32, #tpu.memory_space<hbm>>
      %dma_start3A_359 = arith.constant 0 : i32
      %dma_start3A_360 = tpu.memref_slice %arg6[%add3A_281, %dma_start3A_359] : memref<8192x512xf32, #tpu.memory_space<hbm>> -> memref<32x512xf32, #tpu.memory_space<hbm>>
      %dma_start3A_361 = arith.constant 0 : i32
      %dma_start3A_362 = arith.constant 0 : i32
      %dma_start3A_363 = tpu.memref_slice %arg9[%run_scoped3A_283, %dma_start3A_361, %dma_start3A_362] : memref<2x32x512xf32, #tpu.memory_space<vmem>> -> memref<1x32x512xf32, #tpu.memory_space<vmem>>
      %dma_start3A_364 = tpu.memref_squeeze %dma_start3A_363 : memref<1x32x512xf32, #tpu.memory_space<vmem>> -> memref<32x512xf32, #tpu.memory_space<vmem>>
      tpu.enqueue_dma source(%dma_start3A_364 : memref<32x512xf32, #tpu.memory_space<vmem>>) target(%dma_start3A_360 : memref<32x512xf32, #tpu.memory_space<hbm>>) target_semaphore(%run_scoped3A_352 : memref<!tpu.dma_semaphore, #tpu.memory_space<semaphore_mem>>)
      %dma_wait3A_365 = arith.constant 0 : i32
      %dma_wait3A_366 = arith.constant 0 : i32
      %dma_wait3A_367 = tpu.memref_slice %arg9[%run_scoped3A_283, %dma_wait3A_365, %dma_wait3A_366] : memref<2x32x512xf32, #tpu.memory_space<vmem>> -> memref<1x32x512xf32, #tpu.memory_space<vmem>>
      %dma_wait3A_368 = tpu.memref_squeeze %dma_wait3A_367 : memref<1x32x512xf32, #tpu.memory_space<vmem>> -> memref<32x512xf32, #tpu.memory_space<vmem>>
      %dma_wait3A_369 = arith.constant 0 : i32
      %dma_wait3A_370 = tpu.memref_slice %arg6[%add3A_281, %dma_wait3A_369] : memref<8192x512xf32, #tpu.memory_space<hbm>> -> memref<32x512xf32, #tpu.memory_space<hbm>>
      %dma_wait3A_371 = arith.constant 0 : i32
      %dma_wait3A_372 = tpu.memref_slice %arg6[%add3A_281, %dma_wait3A_371] : memref<8192x512xf32, #tpu.memory_space<hbm>> -> memref<32x512xf32, #tpu.memory_space<hbm>>
      %dma_wait3A_373 = arith.constant 0 : i32
      %dma_wait3A_374 = arith.constant 0 : i32
      %dma_wait3A_375 = tpu.memref_slice %arg9[%run_scoped3A_283, %dma_wait3A_373, %dma_wait3A_374] : memref<2x32x512xf32, #tpu.memory_space<vmem>> -> memref<1x32x512xf32, #tpu.memory_space<vmem>>
      %dma_wait3A_376 = tpu.memref_squeeze %dma_wait3A_375 : memref<1x32x512xf32, #tpu.memory_space<vmem>> -> memref<32x512xf32, #tpu.memory_space<vmem>>
      tpu.wait_dma2 semaphore(%run_scoped3A_352 : memref<!tpu.dma_semaphore, #tpu.memory_space<semaphore_mem>>) src(%dma_wait3A_376 : memref<32x512xf32, #tpu.memory_space<vmem>>) dst(%dma_wait3A_372 : memref<32x512xf32, #tpu.memory_space<hbm>>)
      tpu.yield
    }) : () -> ()
    %dma_start3A_284 = arith.constant 1 : i32
    %dma_start3A_285 = arith.constant 0 : i32
    %dma_start3A_286 = arith.constant 0 : i32
    %dma_start3A_287 = tpu.memref_slice %arg8[%dma_start3A_284, %dma_start3A_285, %dma_start3A_286] : memref<2x32x512xf32, #tpu.memory_space<vmem>> -> memref<1x32x512xf32, #tpu.memory_space<vmem>>
    %dma_start3A_288 = tpu.memref_squeeze %dma_start3A_287 : memref<1x32x512xf32, #tpu.memory_space<vmem>> -> memref<32x512xf32, #tpu.memory_space<vmem>>
    %dma_start3A_289 = arith.constant 224 : i32
    %dma_start3A_290 = tpu.memref_slice %arg7[%dma_start3A_289] : memref<256xi32, #tpu.memory_space<vmem>> -> memref<32xi32, #tpu.memory_space<vmem>>
    %dma_start3A_291 = arith.constant 0 : i32
    %dma_start3A_292 = arith.constant 0 : i32
    %dma_start3A_293 = tpu.memref_slice %arg2[%dma_start3A_291, %dma_start3A_292] : memref<65536x512xf32, #tpu.memory_space<hbm>> -> memref<65536x512xf32, #tpu.memory_space<hbm>>
    tpu.enqueue_indirect_dma source(%dma_start3A_293 : memref<65536x512xf32, #tpu.memory_space<hbm>>) target(%dma_start3A_288 : memref<32x512xf32, #tpu.memory_space<vmem>>) offsets(%dma_start3A_290 : memref<32xi32, #tpu.memory_space<vmem>>) semaphore(%arg12 : memref<!tpu.dma_semaphore, #tpu.memory_space<semaphore_mem>>)
    %dma_start3A_294 = arith.constant 1 : i32
    %dma_start3A_295 = arith.constant 0 : i32
    %dma_start3A_296 = arith.constant 0 : i32
    %dma_start3A_297 = tpu.memref_slice %arg9[%dma_start3A_294, %dma_start3A_295, %dma_start3A_296] : memref<2x32x512xf32, #tpu.memory_space<vmem>> -> memref<1x32x512xf32, #tpu.memory_space<vmem>>
    %dma_start3A_298 = tpu.memref_squeeze %dma_start3A_297 : memref<1x32x512xf32, #tpu.memory_space<vmem>> -> memref<32x512xf32, #tpu.memory_space<vmem>>
    %dma_start3A_299 = arith.constant 224 : i32
    %dma_start3A_300 = tpu.memref_slice %arg7[%dma_start3A_299] : memref<256xi32, #tpu.memory_space<vmem>> -> memref<32xi32, #tpu.memory_space<vmem>>
    %dma_start3A_301 = arith.constant 0 : i32
    %dma_start3A_302 = arith.constant 0 : i32
    %dma_start3A_303 = tpu.memref_slice %arg3[%dma_start3A_301, %dma_start3A_302] : memref<65536x512xf32, #tpu.memory_space<hbm>> -> memref<65536x512xf32, #tpu.memory_space<hbm>>
    tpu.enqueue_indirect_dma source(%dma_start3A_303 : memref<65536x512xf32, #tpu.memory_space<hbm>>) target(%dma_start3A_298 : memref<32x512xf32, #tpu.memory_space<vmem>>) offsets(%dma_start3A_300 : memref<32xi32, #tpu.memory_space<vmem>>) semaphore(%arg13 : memref<!tpu.dma_semaphore, #tpu.memory_space<semaphore_mem>>)
    %dma_wait3A_304 = arith.constant 0 : i32
    %dma_wait3A_305 = arith.constant 0 : i32
    %dma_wait3A_306 = arith.constant 0 : i32
    %dma_wait3A_307 = tpu.memref_slice %arg8[%dma_wait3A_304, %dma_wait3A_305, %dma_wait3A_306] : memref<2x32x512xf32, #tpu.memory_space<vmem>> -> memref<1x32x512xf32, #tpu.memory_space<vmem>>
    %dma_wait3A_308 = tpu.memref_squeeze %dma_wait3A_307 : memref<1x32x512xf32, #tpu.memory_space<vmem>> -> memref<32x512xf32, #tpu.memory_space<vmem>>
    %dma_wait3A_309 = arith.constant 192 : i32
    %dma_wait3A_310 = tpu.memref_slice %arg7[%dma_wait3A_309] : memref<256xi32, #tpu.memory_space<vmem>> -> memref<32xi32, #tpu.memory_space<vmem>>
    %dma_wait3A_311 = arith.constant 0 : i32
    %dma_wait3A_312 = arith.constant 0 : i32
    %dma_wait3A_313 = tpu.memref_slice %arg2[%dma_wait3A_311, %dma_wait3A_312] : memref<65536x512xf32, #tpu.memory_space<hbm>> -> memref<65536x512xf32, #tpu.memory_space<hbm>>
    tpu.wait_indirect_dma semaphore(%arg10 : memref<!tpu.dma_semaphore, #tpu.memory_space<semaphore_mem>>) src(%dma_wait3A_313 : memref<65536x512xf32, #tpu.memory_space<hbm>>) dst(%dma_wait3A_308 : memref<32x512xf32, #tpu.memory_space<vmem>>)
    %dma_wait3A_314 = arith.constant 0 : i32
    %dma_wait3A_315 = arith.constant 0 : i32
    %dma_wait3A_316 = arith.constant 0 : i32
    %dma_wait3A_317 = tpu.memref_slice %arg9[%dma_wait3A_314, %dma_wait3A_315, %dma_wait3A_316] : memref<2x32x512xf32, #tpu.memory_space<vmem>> -> memref<1x32x512xf32, #tpu.memory_space<vmem>>
    %dma_wait3A_318 = tpu.memref_squeeze %dma_wait3A_317 : memref<1x32x512xf32, #tpu.memory_space<vmem>> -> memref<32x512xf32, #tpu.memory_space<vmem>>
    %dma_wait3A_319 = arith.constant 192 : i32
    %dma_wait3A_320 = tpu.memref_slice %arg7[%dma_wait3A_319] : memref<256xi32, #tpu.memory_space<vmem>> -> memref<32xi32, #tpu.memory_space<vmem>>
    %dma_wait3A_321 = arith.constant 0 : i32
    %dma_wait3A_322 = arith.constant 0 : i32
    %dma_wait3A_323 = tpu.memref_slice %arg3[%dma_wait3A_321, %dma_wait3A_322] : memref<65536x512xf32, #tpu.memory_space<hbm>> -> memref<65536x512xf32, #tpu.memory_space<hbm>>
    tpu.wait_indirect_dma semaphore(%arg11 : memref<!tpu.dma_semaphore, #tpu.memory_space<semaphore_mem>>) src(%dma_wait3A_323 : memref<65536x512xf32, #tpu.memory_space<hbm>>) dst(%dma_wait3A_318 : memref<32x512xf32, #tpu.memory_space<vmem>>)
    %add3A_324 = arith.constant 192 : i32
    %add3A_325 = arith.addi %mul3A_2, %add3A_324 : i32
    %run_scoped3A_326 = arith.constant 0 : i32
    "tpu.region"() ({
      %run_scoped3A_352 = tpu.sem_alloc : memref<!tpu.dma_semaphore, #tpu.memory_space<semaphore_mem>>
      %dma_start3A_353 = arith.constant 0 : i32
      %dma_start3A_354 = arith.constant 0 : i32
      %dma_start3A_355 = tpu.memref_slice %arg8[%run_scoped3A_326, %dma_start3A_353, %dma_start3A_354] : memref<2x32x512xf32, #tpu.memory_space<vmem>> -> memref<1x32x512xf32, #tpu.memory_space<vmem>>
      %dma_start3A_356 = tpu.memref_squeeze %dma_start3A_355 : memref<1x32x512xf32, #tpu.memory_space<vmem>> -> memref<32x512xf32, #tpu.memory_space<vmem>>
      %dma_start3A_357 = arith.constant 0 : i32
      %dma_start3A_358 = tpu.memref_slice %arg5[%add3A_325, %dma_start3A_357] : memref<8192x512xf32, #tpu.memory_space<hbm>> -> memref<32x512xf32, #tpu.memory_space<hbm>>
      %dma_start3A_359 = arith.constant 0 : i32
      %dma_start3A_360 = tpu.memref_slice %arg5[%add3A_325, %dma_start3A_359] : memref<8192x512xf32, #tpu.memory_space<hbm>> -> memref<32x512xf32, #tpu.memory_space<hbm>>
      %dma_start3A_361 = arith.constant 0 : i32
      %dma_start3A_362 = arith.constant 0 : i32
      %dma_start3A_363 = tpu.memref_slice %arg8[%run_scoped3A_326, %dma_start3A_361, %dma_start3A_362] : memref<2x32x512xf32, #tpu.memory_space<vmem>> -> memref<1x32x512xf32, #tpu.memory_space<vmem>>
      %dma_start3A_364 = tpu.memref_squeeze %dma_start3A_363 : memref<1x32x512xf32, #tpu.memory_space<vmem>> -> memref<32x512xf32, #tpu.memory_space<vmem>>
      tpu.enqueue_dma source(%dma_start3A_364 : memref<32x512xf32, #tpu.memory_space<vmem>>) target(%dma_start3A_360 : memref<32x512xf32, #tpu.memory_space<hbm>>) target_semaphore(%run_scoped3A_352 : memref<!tpu.dma_semaphore, #tpu.memory_space<semaphore_mem>>)
      %dma_wait3A_365 = arith.constant 0 : i32
      %dma_wait3A_366 = arith.constant 0 : i32
      %dma_wait3A_367 = tpu.memref_slice %arg8[%run_scoped3A_326, %dma_wait3A_365, %dma_wait3A_366] : memref<2x32x512xf32, #tpu.memory_space<vmem>> -> memref<1x32x512xf32, #tpu.memory_space<vmem>>
      %dma_wait3A_368 = tpu.memref_squeeze %dma_wait3A_367 : memref<1x32x512xf32, #tpu.memory_space<vmem>> -> memref<32x512xf32, #tpu.memory_space<vmem>>
      %dma_wait3A_369 = arith.constant 0 : i32
      %dma_wait3A_370 = tpu.memref_slice %arg5[%add3A_325, %dma_wait3A_369] : memref<8192x512xf32, #tpu.memory_space<hbm>> -> memref<32x512xf32, #tpu.memory_space<hbm>>
      %dma_wait3A_371 = arith.constant 0 : i32
      %dma_wait3A_372 = tpu.memref_slice %arg5[%add3A_325, %dma_wait3A_371] : memref<8192x512xf32, #tpu.memory_space<hbm>> -> memref<32x512xf32, #tpu.memory_space<hbm>>
      %dma_wait3A_373 = arith.constant 0 : i32
      %dma_wait3A_374 = arith.constant 0 : i32
      %dma_wait3A_375 = tpu.memref_slice %arg8[%run_scoped3A_326, %dma_wait3A_373, %dma_wait3A_374] : memref<2x32x512xf32, #tpu.memory_space<vmem>> -> memref<1x32x512xf32, #tpu.memory_space<vmem>>
      %dma_wait3A_376 = tpu.memref_squeeze %dma_wait3A_375 : memref<1x32x512xf32, #tpu.memory_space<vmem>> -> memref<32x512xf32, #tpu.memory_space<vmem>>
      tpu.wait_dma2 semaphore(%run_scoped3A_352 : memref<!tpu.dma_semaphore, #tpu.memory_space<semaphore_mem>>) src(%dma_wait3A_376 : memref<32x512xf32, #tpu.memory_space<vmem>>) dst(%dma_wait3A_372 : memref<32x512xf32, #tpu.memory_space<hbm>>)
      tpu.yield
    }) : () -> ()
    %run_scoped3A_327 = arith.constant 0 : i32
    "tpu.region"() ({
      %run_scoped3A_352 = tpu.sem_alloc : memref<!tpu.dma_semaphore, #tpu.memory_space<semaphore_mem>>
      %dma_start3A_353 = arith.constant 0 : i32
      %dma_start3A_354 = arith.constant 0 : i32
      %dma_start3A_355 = tpu.memref_slice %arg9[%run_scoped3A_327, %dma_start3A_353, %dma_start3A_354] : memref<2x32x512xf32, #tpu.memory_space<vmem>> -> memref<1x32x512xf32, #tpu.memory_space<vmem>>
      %dma_start3A_356 = tpu.memref_squeeze %dma_start3A_355 : memref<1x32x512xf32, #tpu.memory_space<vmem>> -> memref<32x512xf32, #tpu.memory_space<vmem>>
      %dma_start3A_357 = arith.constant 0 : i32
      %dma_start3A_358 = tpu.memref_slice %arg6[%add3A_325, %dma_start3A_357] : memref<8192x512xf32, #tpu.memory_space<hbm>> -> memref<32x512xf32, #tpu.memory_space<hbm>>
      %dma_start3A_359 = arith.constant 0 : i32
      %dma_start3A_360 = tpu.memref_slice %arg6[%add3A_325, %dma_start3A_359] : memref<8192x512xf32, #tpu.memory_space<hbm>> -> memref<32x512xf32, #tpu.memory_space<hbm>>
      %dma_start3A_361 = arith.constant 0 : i32
      %dma_start3A_362 = arith.constant 0 : i32
      %dma_start3A_363 = tpu.memref_slice %arg9[%run_scoped3A_327, %dma_start3A_361, %dma_start3A_362] : memref<2x32x512xf32, #tpu.memory_space<vmem>> -> memref<1x32x512xf32, #tpu.memory_space<vmem>>
      %dma_start3A_364 = tpu.memref_squeeze %dma_start3A_363 : memref<1x32x512xf32, #tpu.memory_space<vmem>> -> memref<32x512xf32, #tpu.memory_space<vmem>>
      tpu.enqueue_dma source(%dma_start3A_364 : memref<32x512xf32, #tpu.memory_space<vmem>>) target(%dma_start3A_360 : memref<32x512xf32, #tpu.memory_space<hbm>>) target_semaphore(%run_scoped3A_352 : memref<!tpu.dma_semaphore, #tpu.memory_space<semaphore_mem>>)
      %dma_wait3A_365 = arith.constant 0 : i32
      %dma_wait3A_366 = arith.constant 0 : i32
      %dma_wait3A_367 = tpu.memref_slice %arg9[%run_scoped3A_327, %dma_wait3A_365, %dma_wait3A_366] : memref<2x32x512xf32, #tpu.memory_space<vmem>> -> memref<1x32x512xf32, #tpu.memory_space<vmem>>
      %dma_wait3A_368 = tpu.memref_squeeze %dma_wait3A_367 : memref<1x32x512xf32, #tpu.memory_space<vmem>> -> memref<32x512xf32, #tpu.memory_space<vmem>>
      %dma_wait3A_369 = arith.constant 0 : i32
      %dma_wait3A_370 = tpu.memref_slice %arg6[%add3A_325, %dma_wait3A_369] : memref<8192x512xf32, #tpu.memory_space<hbm>> -> memref<32x512xf32, #tpu.memory_space<hbm>>
      %dma_wait3A_371 = arith.constant 0 : i32
      %dma_wait3A_372 = tpu.memref_slice %arg6[%add3A_325, %dma_wait3A_371] : memref<8192x512xf32, #tpu.memory_space<hbm>> -> memref<32x512xf32, #tpu.memory_space<hbm>>
      %dma_wait3A_373 = arith.constant 0 : i32
      %dma_wait3A_374 = arith.constant 0 : i32
      %dma_wait3A_375 = tpu.memref_slice %arg9[%run_scoped3A_327, %dma_wait3A_373, %dma_wait3A_374] : memref<2x32x512xf32, #tpu.memory_space<vmem>> -> memref<1x32x512xf32, #tpu.memory_space<vmem>>
      %dma_wait3A_376 = tpu.memref_squeeze %dma_wait3A_375 : memref<1x32x512xf32, #tpu.memory_space<vmem>> -> memref<32x512xf32, #tpu.memory_space<vmem>>
      tpu.wait_dma2 semaphore(%run_scoped3A_352 : memref<!tpu.dma_semaphore, #tpu.memory_space<semaphore_mem>>) src(%dma_wait3A_376 : memref<32x512xf32, #tpu.memory_space<vmem>>) dst(%dma_wait3A_372 : memref<32x512xf32, #tpu.memory_space<hbm>>)
      tpu.yield
    }) : () -> ()
    %dma_wait3A_328 = arith.constant 1 : i32
    %dma_wait3A_329 = arith.constant 0 : i32
    %dma_wait3A_330 = arith.constant 0 : i32
    %dma_wait3A_331 = tpu.memref_slice %arg8[%dma_wait3A_328, %dma_wait3A_329, %dma_wait3A_330] : memref<2x32x512xf32, #tpu.memory_space<vmem>> -> memref<1x32x512xf32, #tpu.memory_space<vmem>>
    %dma_wait3A_332 = tpu.memref_squeeze %dma_wait3A_331 : memref<1x32x512xf32, #tpu.memory_space<vmem>> -> memref<32x512xf32, #tpu.memory_space<vmem>>
    %dma_wait3A_333 = arith.constant 224 : i32
    %dma_wait3A_334 = tpu.memref_slice %arg7[%dma_wait3A_333] : memref<256xi32, #tpu.memory_space<vmem>> -> memref<32xi32, #tpu.memory_space<vmem>>
    %dma_wait3A_335 = arith.constant 0 : i32
    %dma_wait3A_336 = arith.constant 0 : i32
    %dma_wait3A_337 = tpu.memref_slice %arg2[%dma_wait3A_335, %dma_wait3A_336] : memref<65536x512xf32, #tpu.memory_space<hbm>> -> memref<65536x512xf32, #tpu.memory_space<hbm>>
    tpu.wait_indirect_dma semaphore(%arg12 : memref<!tpu.dma_semaphore, #tpu.memory_space<semaphore_mem>>) src(%dma_wait3A_337 : memref<65536x512xf32, #tpu.memory_space<hbm>>) dst(%dma_wait3A_332 : memref<32x512xf32, #tpu.memory_space<vmem>>)
    %dma_wait3A_338 = arith.constant 1 : i32
    %dma_wait3A_339 = arith.constant 0 : i32
    %dma_wait3A_340 = arith.constant 0 : i32
    %dma_wait3A_341 = tpu.memref_slice %arg9[%dma_wait3A_338, %dma_wait3A_339, %dma_wait3A_340] : memref<2x32x512xf32, #tpu.memory_space<vmem>> -> memref<1x32x512xf32, #tpu.memory_space<vmem>>
    %dma_wait3A_342 = tpu.memref_squeeze %dma_wait3A_341 : memref<1x32x512xf32, #tpu.memory_space<vmem>> -> memref<32x512xf32, #tpu.memory_space<vmem>>
    %dma_wait3A_343 = arith.constant 224 : i32
    %dma_wait3A_344 = tpu.memref_slice %arg7[%dma_wait3A_343] : memref<256xi32, #tpu.memory_space<vmem>> -> memref<32xi32, #tpu.memory_space<vmem>>
    %dma_wait3A_345 = arith.constant 0 : i32
    %dma_wait3A_346 = arith.constant 0 : i32
    %dma_wait3A_347 = tpu.memref_slice %arg3[%dma_wait3A_345, %dma_wait3A_346] : memref<65536x512xf32, #tpu.memory_space<hbm>> -> memref<65536x512xf32, #tpu.memory_space<hbm>>
    tpu.wait_indirect_dma semaphore(%arg13 : memref<!tpu.dma_semaphore, #tpu.memory_space<semaphore_mem>>) src(%dma_wait3A_347 : memref<65536x512xf32, #tpu.memory_space<hbm>>) dst(%dma_wait3A_342 : memref<32x512xf32, #tpu.memory_space<vmem>>)
    %add3A_348 = arith.constant 224 : i32
    %add3A_349 = arith.addi %mul3A_2, %add3A_348 : i32
    %run_scoped3A_350 = arith.constant 1 : i32
    "tpu.region"() ({
      %run_scoped3A_352 = tpu.sem_alloc : memref<!tpu.dma_semaphore, #tpu.memory_space<semaphore_mem>>
      %dma_start3A_353 = arith.constant 0 : i32
      %dma_start3A_354 = arith.constant 0 : i32
      %dma_start3A_355 = tpu.memref_slice %arg8[%run_scoped3A_350, %dma_start3A_353, %dma_start3A_354] : memref<2x32x512xf32, #tpu.memory_space<vmem>> -> memref<1x32x512xf32, #tpu.memory_space<vmem>>
      %dma_start3A_356 = tpu.memref_squeeze %dma_start3A_355 : memref<1x32x512xf32, #tpu.memory_space<vmem>> -> memref<32x512xf32, #tpu.memory_space<vmem>>
      %dma_start3A_357 = arith.constant 0 : i32
      %dma_start3A_358 = tpu.memref_slice %arg5[%add3A_349, %dma_start3A_357] : memref<8192x512xf32, #tpu.memory_space<hbm>> -> memref<32x512xf32, #tpu.memory_space<hbm>>
      %dma_start3A_359 = arith.constant 0 : i32
      %dma_start3A_360 = tpu.memref_slice %arg5[%add3A_349, %dma_start3A_359] : memref<8192x512xf32, #tpu.memory_space<hbm>> -> memref<32x512xf32, #tpu.memory_space<hbm>>
      %dma_start3A_361 = arith.constant 0 : i32
      %dma_start3A_362 = arith.constant 0 : i32
      %dma_start3A_363 = tpu.memref_slice %arg8[%run_scoped3A_350, %dma_start3A_361, %dma_start3A_362] : memref<2x32x512xf32, #tpu.memory_space<vmem>> -> memref<1x32x512xf32, #tpu.memory_space<vmem>>
      %dma_start3A_364 = tpu.memref_squeeze %dma_start3A_363 : memref<1x32x512xf32, #tpu.memory_space<vmem>> -> memref<32x512xf32, #tpu.memory_space<vmem>>
      tpu.enqueue_dma source(%dma_start3A_364 : memref<32x512xf32, #tpu.memory_space<vmem>>) target(%dma_start3A_360 : memref<32x512xf32, #tpu.memory_space<hbm>>) target_semaphore(%run_scoped3A_352 : memref<!tpu.dma_semaphore, #tpu.memory_space<semaphore_mem>>)
      %dma_wait3A_365 = arith.constant 0 : i32
      %dma_wait3A_366 = arith.constant 0 : i32
      %dma_wait3A_367 = tpu.memref_slice %arg8[%run_scoped3A_350, %dma_wait3A_365, %dma_wait3A_366] : memref<2x32x512xf32, #tpu.memory_space<vmem>> -> memref<1x32x512xf32, #tpu.memory_space<vmem>>
      %dma_wait3A_368 = tpu.memref_squeeze %dma_wait3A_367 : memref<1x32x512xf32, #tpu.memory_space<vmem>> -> memref<32x512xf32, #tpu.memory_space<vmem>>
      %dma_wait3A_369 = arith.constant 0 : i32
      %dma_wait3A_370 = tpu.memref_slice %arg5[%add3A_349, %dma_wait3A_369] : memref<8192x512xf32, #tpu.memory_space<hbm>> -> memref<32x512xf32, #tpu.memory_space<hbm>>
      %dma_wait3A_371 = arith.constant 0 : i32
      %dma_wait3A_372 = tpu.memref_slice %arg5[%add3A_349, %dma_wait3A_371] : memref<8192x512xf32, #tpu.memory_space<hbm>> -> memref<32x512xf32, #tpu.memory_space<hbm>>
      %dma_wait3A_373 = arith.constant 0 : i32
      %dma_wait3A_374 = arith.constant 0 : i32
      %dma_wait3A_375 = tpu.memref_slice %arg8[%run_scoped3A_350, %dma_wait3A_373, %dma_wait3A_374] : memref<2x32x512xf32, #tpu.memory_space<vmem>> -> memref<1x32x512xf32, #tpu.memory_space<vmem>>
      %dma_wait3A_376 = tpu.memref_squeeze %dma_wait3A_375 : memref<1x32x512xf32, #tpu.memory_space<vmem>> -> memref<32x512xf32, #tpu.memory_space<vmem>>
      tpu.wait_dma2 semaphore(%run_scoped3A_352 : memref<!tpu.dma_semaphore, #tpu.memory_space<semaphore_mem>>) src(%dma_wait3A_376 : memref<32x512xf32, #tpu.memory_space<vmem>>) dst(%dma_wait3A_372 : memref<32x512xf32, #tpu.memory_space<hbm>>)
      tpu.yield
    }) : () -> ()
    %run_scoped3A_351 = arith.constant 1 : i32
    "tpu.region"() ({
      %run_scoped3A_352 = tpu.sem_alloc : memref<!tpu.dma_semaphore, #tpu.memory_space<semaphore_mem>>
      %dma_start3A_353 = arith.constant 0 : i32
      %dma_start3A_354 = arith.constant 0 : i32
      %dma_start3A_355 = tpu.memref_slice %arg9[%run_scoped3A_351, %dma_start3A_353, %dma_start3A_354] : memref<2x32x512xf32, #tpu.memory_space<vmem>> -> memref<1x32x512xf32, #tpu.memory_space<vmem>>
      %dma_start3A_356 = tpu.memref_squeeze %dma_start3A_355 : memref<1x32x512xf32, #tpu.memory_space<vmem>> -> memref<32x512xf32, #tpu.memory_space<vmem>>
      %dma_start3A_357 = arith.constant 0 : i32
      %dma_start3A_358 = tpu.memref_slice %arg6[%add3A_349, %dma_start3A_357] : memref<8192x512xf32, #tpu.memory_space<hbm>> -> memref<32x512xf32, #tpu.memory_space<hbm>>
      %dma_start3A_359 = arith.constant 0 : i32
      %dma_start3A_360 = tpu.memref_slice %arg6[%add3A_349, %dma_start3A_359] : memref<8192x512xf32, #tpu.memory_space<hbm>> -> memref<32x512xf32, #tpu.memory_space<hbm>>
      %dma_start3A_361 = arith.constant 0 : i32
      %dma_start3A_362 = arith.constant 0 : i32
      %dma_start3A_363 = tpu.memref_slice %arg9[%run_scoped3A_351, %dma_start3A_361, %dma_start3A_362] : memref<2x32x512xf32, #tpu.memory_space<vmem>> -> memref<1x32x512xf32, #tpu.memory_space<vmem>>
      %dma_start3A_364 = tpu.memref_squeeze %dma_start3A_363 : memref<1x32x512xf32, #tpu.memory_space<vmem>> -> memref<32x512xf32, #tpu.memory_space<vmem>>
      tpu.enqueue_dma source(%dma_start3A_364 : memref<32x512xf32, #tpu.memory_space<vmem>>) target(%dma_start3A_360 : memref<32x512xf32, #tpu.memory_space<hbm>>) target_semaphore(%run_scoped3A_352 : memref<!tpu.dma_semaphore, #tpu.memory_space<semaphore_mem>>)
      %dma_wait3A_365 = arith.constant 0 : i32
      %dma_wait3A_366 = arith.constant 0 : i32
      %dma_wait3A_367 = tpu.memref_slice %arg9[%run_scoped3A_351, %dma_wait3A_365, %dma_wait3A_366] : memref<2x32x512xf32, #tpu.memory_space<vmem>> -> memref<1x32x512xf32, #tpu.memory_space<vmem>>
      %dma_wait3A_368 = tpu.memref_squeeze %dma_wait3A_367 : memref<1x32x512xf32, #tpu.memory_space<vmem>> -> memref<32x512xf32, #tpu.memory_space<vmem>>
      %dma_wait3A_369 = arith.constant 0 : i32
      %dma_wait3A_370 = tpu.memref_slice %arg6[%add3A_349, %dma_wait3A_369] : memref<8192x512xf32, #tpu.memory_space<hbm>> -> memref<32x512xf32, #tpu.memory_space<hbm>>
      %dma_wait3A_371 = arith.constant 0 : i32
      %dma_wait3A_372 = tpu.memref_slice %arg6[%add3A_349, %dma_wait3A_371] : memref<8192x512xf32, #tpu.memory_space<hbm>> -> memref<32x512xf32, #tpu.memory_space<hbm>>
      %dma_wait3A_373 = arith.constant 0 : i32
      %dma_wait3A_374 = arith.constant 0 : i32
      %dma_wait3A_375 = tpu.memref_slice %arg9[%run_scoped3A_351, %dma_wait3A_373, %dma_wait3A_374] : memref<2x32x512xf32, #tpu.memory_space<vmem>> -> memref<1x32x512xf32, #tpu.memory_space<vmem>>
      %dma_wait3A_376 = tpu.memref_squeeze %dma_wait3A_375 : memref<1x32x512xf32, #tpu.memory_space<vmem>> -> memref<32x512xf32, #tpu.memory_space<vmem>>
      tpu.wait_dma2 semaphore(%run_scoped3A_352 : memref<!tpu.dma_semaphore, #tpu.memory_space<semaphore_mem>>) src(%dma_wait3A_376 : memref<32x512xf32, #tpu.memory_space<vmem>>) dst(%dma_wait3A_372 : memref<32x512xf32, #tpu.memory_space<hbm>>)
      tpu.yield
    }) : () -> ()
    return
  }
}

module attributes {stable_mosaic.version = 14 : i64} {
  func.func @_topk_body(%arg0: i32, %arg1: memref<1024x512xf32, #tpu.memory_space<vmem>>, %arg2: memref<2048x512xf32, #tpu.memory_space<vmem>>, %arg3: memref<1024x8xi32, #tpu.memory_space<vmem>>, %arg4: memref<1024x512xf32, #tpu.memory_space<vmem>>, %arg5: memref<1024x8xf32, #tpu.memory_space<vmem>>, %arg6: memref<1024x8xi32, #tpu.memory_space<vmem>>, %arg7: memref<1024x2048xf32, #tpu.memory_space<vmem>>) attributes {dimension_semantics = [#tpu.dimension_semantics<arbitrary>], iteration_bounds = array<i64: 32>, scalar_prefetch = 0 : i64, scratch_operands = 4 : i64, tpu.core_type = #tpu.core_type<tc>, window_params = [{pipeline_mode = #tpu.pipeline_mode<synchronous>, transform_indices = @transform_0, window_bounds = array<i64: 1024, 512>}, {transform_indices = @transform_1, window_bounds = array<i64: 2048, 512>}, {pipeline_mode = #tpu.pipeline_mode<synchronous>, transform_indices = @transform_2, window_bounds = array<i64: 1024, 8>}]} {
    %eq3A = arith.constant 0 : i32
    %eq3A_0 = arith.cmpi eq, %arg0, %eq3A : i32
    %convert_element_type3A = arith.extui %eq3A_0 : i1 to i32
    %cond3A = arith.constant 0 : i32
    %cond3A_1 = arith.cmpi ne, %convert_element_type3A, %cond3A : i32
    scf.if %cond3A_1 {
      %get3A_50 = arith.constant 0 : index
      %get3A_51 = arith.constant 0 : index
      %get3A_52 = vector.load %arg1[%get3A_50, %get3A_51] : memref<1024x512xf32, #tpu.memory_space<vmem>>, vector<1024x512xf32>
      %mul3A_53 = arith.mulf %get3A_52, %get3A_52 : vector<1024x512xf32>
      %reduce_sum3A_54 = arith.constant dense<0.000000e+00> : vector<1024xf32>
      %reduce_sum3A_55 = vector.multi_reduction <add>, %mul3A_53, %reduce_sum3A_54 [1] : vector<1024x512xf32> to vector<1024xf32>
      %broadcast_in_dim3A_56 = vector.shape_cast %reduce_sum3A_55 : vector<1024xf32> to vector<1024x1xf32>
      %sqrt3A_57 = math.sqrt %broadcast_in_dim3A_56 : vector<1024x1xf32>
      %max3A_58 = arith.constant 9.99999996E-13 : f32
      %max3A_59 = vector.broadcast %max3A_58 : f32 to vector<1024x1xf32>
      %max3A_60 = arith.maximumf %sqrt3A_57, %max3A_59 : vector<1024x1xf32>
      %div3A_61 = vector.broadcast %max3A_60 : vector<1024x1xf32> to vector<1024x512xf32>
      %div3A_62 = arith.divf %get3A_52, %div3A_61 : vector<1024x512xf32>
      %swap3A_63 = arith.constant 0 : index
      %swap3A_64 = arith.constant 0 : index
      %swap3A_65 = vector.load %arg4[%swap3A_63, %swap3A_64] : memref<1024x512xf32, #tpu.memory_space<vmem>>, vector<1024x512xf32>
      tpu.vector_store %arg4[%swap3A_63, %swap3A_64], %div3A_62 {strides = array<i32>} : memref<1024x512xf32, #tpu.memory_space<vmem>>, vector<1024x512xf32>,
      %broadcast_in_dim3A_66 = arith.constant 0xFF800000 : f32
      %broadcast_in_dim3A_67 = vector.broadcast %broadcast_in_dim3A_66 : f32 to vector<1024x8xf32>
      %swap3A_68 = arith.constant 0 : index
      %swap3A_69 = arith.constant 0 : index
      %swap3A_70 = vector.load %arg5[%swap3A_68, %swap3A_69] : memref<1024x8xf32, #tpu.memory_space<vmem>>, vector<1024x8xf32>
      tpu.vector_store %arg5[%swap3A_68, %swap3A_69], %broadcast_in_dim3A_67 {strides = array<i32>} : memref<1024x8xf32, #tpu.memory_space<vmem>>, vector<1024x8xf32>,
      %broadcast_in_dim3A_71 = arith.constant 0 : i32
      %broadcast_in_dim3A_72 = vector.broadcast %broadcast_in_dim3A_71 : i32 to vector<1024x8xi32>
      %swap3A_73 = arith.constant 0 : index
      %swap3A_74 = arith.constant 0 : index
      %swap3A_75 = vector.load %arg6[%swap3A_73, %swap3A_74] : memref<1024x8xi32, #tpu.memory_space<vmem>>, vector<1024x8xi32>
      tpu.vector_store %arg6[%swap3A_73, %swap3A_74], %broadcast_in_dim3A_72 {strides = array<i32>} : memref<1024x8xi32, #tpu.memory_space<vmem>>, vector<1024x8xi32>,
    } else {
    }
    %get3A = arith.constant 0 : index
    %get3A_2 = arith.constant 0 : index
    %get3A_3 = vector.load %arg2[%get3A, %get3A_2] : memref<2048x512xf32, #tpu.memory_space<vmem>>, vector<2048x512xf32>
    %mul3A = arith.mulf %get3A_3, %get3A_3 : vector<2048x512xf32>
    %reduce_sum3A = arith.constant dense<0.000000e+00> : vector<2048xf32>
    %reduce_sum3A_4 = vector.multi_reduction <add>, %mul3A, %reduce_sum3A [1] : vector<2048x512xf32> to vector<2048xf32>
    %broadcast_in_dim3A = vector.shape_cast %reduce_sum3A_4 : vector<2048xf32> to vector<2048x1xf32>
    %sqrt3A = math.sqrt %broadcast_in_dim3A : vector<2048x1xf32>
    %max3A = arith.constant 9.99999996E-13 : f32
    %max3A_5 = vector.broadcast %max3A : f32 to vector<2048x1xf32>
    %max3A_6 = arith.maximumf %sqrt3A, %max3A_5 : vector<2048x1xf32>
    %div3A = vector.broadcast %max3A_6 : vector<2048x1xf32> to vector<2048x512xf32>
    %div3A_7 = arith.divf %get3A_3, %div3A : vector<2048x512xf32>
    %get3A_8 = arith.constant 0 : index
    %get3A_9 = arith.constant 0 : index
    %get3A_10 = vector.load %arg4[%get3A_8, %get3A_9] : memref<1024x512xf32, #tpu.memory_space<vmem>>, vector<1024x512xf32>
    %dot_general3A = arith.constant dense<0.000000e+00> : vector<1024x2048xf32>
    %dot_general3A_11 = tpu.matmul %get3A_10, %div3A_7, %dot_general3A {dimension_numbers = #tpu.dot_dimension_numbers<[1], [1], [0], [0], [0, 0, 1, 0], [], []>, transpose_lhs_hint = false} : vector<1024x512xf32>, vector<2048x512xf32>, vector<1024x2048xf32> -> vector<1024x2048xf32>
    %swap3A = arith.constant 0 : index
    %swap3A_12 = arith.constant 0 : index
    %swap3A_13 = vector.load %arg7[%swap3A, %swap3A_12] : memref<1024x2048xf32, #tpu.memory_space<vmem>>, vector<1024x2048xf32>
    tpu.vector_store %arg7[%swap3A, %swap3A_12], %dot_general3A_11 {strides = array<i32>} : memref<1024x2048xf32, #tpu.memory_space<vmem>>, vector<1024x2048xf32>,
    %iota3A = tpu.iota {dimensions = array<i32: 1>} : vector<512x2048xi32>
    %convert_element_type3A_14 = arith.sitofp %iota3A : vector<512x2048xi32> to vector<512x2048xf32>
    %iota3A_15 = tpu.iota {dimensions = array<i32: 1>} : vector<512x8xi32>
    %slice3A = vector.extract_strided_slice %dot_general3A_11 {offsets = [0, 0], sizes = [512, 2048], strides = [1, 1]} : vector<1024x2048xf32> to vector<512x2048xf32>
    %reduce_max3A = arith.constant dense<0xFF800000> : vector<512xf32>
    %reduce_max3A_16 = vector.multi_reduction <maximumf>, %slice3A, %reduce_max3A [1] : vector<512x2048xf32> to vector<512xf32>
    %broadcast_in_dim3A_17 = vector.shape_cast %reduce_max3A_16 : vector<512xf32> to vector<512x1xf32>
    %get3A_18 = arith.constant 0 : index
    %get3A_19 = arith.constant 7 : index
    %get3A_20 = vector.load %arg5[%get3A_18, %get3A_19] : memref<1024x8xf32, #tpu.memory_space<vmem>>, vector<512x1xf32>
    %sub3A = arith.subf %broadcast_in_dim3A_17, %get3A_20 : vector<512x1xf32>
    %reduce_max3A_21 = vector.shape_cast %sub3A : vector<512x1xf32> to vector<1x512x1xf32>
    %reduce_max3A_22 = arith.constant dense<0xFF800000> : vector<1xf32>
    %reduce_max3A_23 = vector.multi_reduction <maximumf>, %reduce_max3A_21, %reduce_max3A_22 [1, 2] : vector<1x512x1xf32> to vector<1xf32>
    %reduce_max3A_24 = vector.shape_cast %reduce_max3A_23 : vector<1xf32> to vector<1x1x1xf32>
    %reduce_max3A_25 = vector.extract %reduce_max3A_24[0, 0, 0] : f32 from vector<1x1x1xf32>
    %gt3A = arith.constant 0.000000e+00 : f32
    %gt3A_26 = arith.cmpf ogt, %reduce_max3A_25, %gt3A : f32
    %while3A = arith.constant 0 : i32
    %while3A_27:3 = scf.while (%while3A_50 = %while3A, %while3A_51 = %gt3A_26, %while3A_52 = %broadcast_in_dim3A_17) : (i32, i1, vector<512x1xf32>) -> (i32, i1, vector<512x1xf32>) {
      %lt3A = arith.constant 8 : i32
      %lt3A_53 = arith.cmpi slt, %while3A_50, %lt3A : i32
      %and3A = arith.andi %lt3A_53, %while3A_51 : i1
      scf.condition(%and3A) %while3A_50, %while3A_51, %while3A_52 : i32, i1, vector<512x1xf32>
    } do {
    ^bb0(%while3A_50: i32, %while3A_51: i1, %while3A_52: vector<512x1xf32>):
      %get3A_53 = arith.constant 0 : index
      %get3A_54 = arith.constant 0 : index
      %get3A_55 = vector.load %arg7[%get3A_53, %get3A_54] : memref<1024x2048xf32, #tpu.memory_space<vmem>>, vector<512x2048xf32>
      %get3A_56 = arith.constant 0 : index
      %get3A_57 = arith.constant 0 : index
      %get3A_58 = vector.load %arg5[%get3A_56, %get3A_57] : memref<1024x8xf32, #tpu.memory_space<vmem>>, vector<512x8xf32>
      %get3A_59 = arith.constant 0 : index
      %get3A_60 = arith.constant 0 : index
      %get3A_61 = vector.load %arg6[%get3A_59, %get3A_60] : memref<1024x8xi32, #tpu.memory_space<vmem>>, vector<512x8xi32>
      %eq3A_62 = vector.broadcast %while3A_52 : vector<512x1xf32> to vector<512x2048xf32>
      %eq3A_63 = arith.cmpf oeq, %get3A_55, %eq3A_62 : vector<512x2048xf32>
      %jit3A = arith.constant 1.000000e+09 : f32
      %broadcast_in_dim3A_64 = vector.broadcast %jit3A : f32 to vector<512x2048xf32>
      %select_n3A = arith.select %eq3A_63, %convert_element_type3A_14, %broadcast_in_dim3A_64 : vector<512x2048xi1>, vector<512x2048xf32>
      %reduce_min3A = arith.constant dense<0x7F800000> : vector<512xf32>
      %reduce_min3A_65 = vector.multi_reduction <minimumf>, %select_n3A, %reduce_min3A [1] : vector<512x2048xf32> to vector<512xf32>
      %broadcast_in_dim3A_66 = vector.shape_cast %reduce_min3A_65 : vector<512xf32> to vector<512x1xf32>
      %eq3A_67 = vector.broadcast %broadcast_in_dim3A_66 : vector<512x1xf32> to vector<512x2048xf32>
      %eq3A_68 = arith.cmpf oeq, %convert_element_type3A_14, %eq3A_67 : vector<512x2048xf32>
      %jit3A_69 = arith.constant -2.000000e+00 : f32
      %broadcast_in_dim3A_70 = vector.broadcast %jit3A_69 : f32 to vector<512x2048xf32>
      %select_n3A_71 = arith.select %eq3A_68, %broadcast_in_dim3A_70, %get3A_55 : vector<512x2048xi1>, vector<512x2048xf32>
      %swap3A_72 = arith.constant 0 : index
      %swap3A_73 = arith.constant 0 : index
      %swap3A_74 = vector.load %arg7[%swap3A_72, %swap3A_73] : memref<1024x2048xf32, #tpu.memory_space<vmem>>, vector<512x2048xf32>
      tpu.vector_store %arg7[%swap3A_72, %swap3A_73], %select_n3A_71 {strides = array<i32>} : memref<1024x2048xf32, #tpu.memory_space<vmem>>, vector<512x2048xf32>,
      %reduce_max3A_75 = arith.constant dense<0xFF800000> : vector<512xf32>
      %reduce_max3A_76 = vector.multi_reduction <maximumf>, %select_n3A_71, %reduce_max3A_75 [1] : vector<512x2048xf32> to vector<512xf32>
      %broadcast_in_dim3A_77 = vector.shape_cast %reduce_max3A_76 : vector<512xf32> to vector<512x1xf32>
      %convert_element_type3A_78 = arith.fptosi %broadcast_in_dim3A_66 : vector<512x1xf32> to vector<512x1xi32>
      %mul3A_79 = arith.constant 2048 : i32
      %mul3A_80 = arith.muli %arg0, %mul3A_79 : i32
      %add3A = vector.broadcast %mul3A_80 : i32 to vector<512x1xi32>
      %add3A_81 = arith.addi %convert_element_type3A_78, %add3A : vector<512x1xi32>
      %ge3A = vector.broadcast %while3A_52 : vector<512x1xf32> to vector<512x8xf32>
      %ge3A_82 = arith.cmpf oge, %get3A_58, %ge3A : vector<512x8xf32>
      %convert_element_type3A_83 = arith.extui %ge3A_82 : vector<512x8xi1> to vector<512x8xi32>
      %reduce_sum3A_84 = arith.constant dense<0> : vector<512xi32>
      %reduce_sum3A_85 = vector.multi_reduction <add>, %convert_element_type3A_83, %reduce_sum3A_84 [1] : vector<512x8xi32> to vector<512xi32>
      %broadcast_in_dim3A_86 = vector.shape_cast %reduce_sum3A_85 : vector<512xi32> to vector<512x1xi32>
      %slice3A_87 = vector.extract_strided_slice %get3A_58 {offsets = [0, 0], sizes = [512, 1], strides = [1, 1]} : vector<512x8xf32> to vector<512x1xf32>
      %slice3A_88 = vector.extract_strided_slice %get3A_58 {offsets = [0, 0], sizes = [512, 7], strides = [1, 1]} : vector<512x8xf32> to vector<512x7xf32>
      %concatenate3A = tpu.concatenate %slice3A_87, %slice3A_88 in 1 : vector<512x1xf32>, vector<512x7xf32> -> vector<512x8xf32>
      %slice3A_89 = vector.extract_strided_slice %get3A_61 {offsets = [0, 0], sizes = [512, 1], strides = [1, 1]} : vector<512x8xi32> to vector<512x1xi32>
      %slice3A_90 = vector.extract_strided_slice %get3A_61 {offsets = [0, 0], sizes = [512, 7], strides = [1, 1]} : vector<512x8xi32> to vector<512x7xi32>
      %concatenate3A_91 = tpu.concatenate %slice3A_89, %slice3A_90 in 1 : vector<512x1xi32>, vector<512x7xi32> -> vector<512x8xi32>
      %lt3A = vector.broadcast %broadcast_in_dim3A_86 : vector<512x1xi32> to vector<512x8xi32>
      %lt3A_92 = arith.cmpi slt, %iota3A_15, %lt3A : vector<512x8xi32>
      %eq3A_93 = vector.broadcast %broadcast_in_dim3A_86 : vector<512x1xi32> to vector<512x8xi32>
      %eq3A_94 = arith.cmpi eq, %iota3A_15, %eq3A_93 : vector<512x8xi32>
      %broadcast_in_dim3A_95 = vector.shape_cast %while3A_52 : vector<512x1xf32> to vector<512x1xf32>
      %broadcast_in_dim3A_96 = vector.broadcast %broadcast_in_dim3A_95 : vector<512x1xf32> to vector<512x8xf32>
      %select_n3A_97 = arith.select %eq3A_94, %broadcast_in_dim3A_96, %concatenate3A : vector<512x8xi1>, vector<512x8xf32>
      %select_n3A_98 = arith.select %lt3A_92, %get3A_58, %select_n3A_97 : vector<512x8xi1>, vector<512x8xf32>
      %lt3A_99 = vector.broadcast %broadcast_in_dim3A_86 : vector<512x1xi32> to vector<512x8xi32>
      %lt3A_100 = arith.cmpi slt, %iota3A_15, %lt3A_99 : vector<512x8xi32>
      %eq3A_101 = vector.broadcast %broadcast_in_dim3A_86 : vector<512x1xi32> to vector<512x8xi32>
      %eq3A_102 = arith.cmpi eq, %iota3A_15, %eq3A_101 : vector<512x8xi32>
      %broadcast_in_dim3A_103 = vector.shape_cast %add3A_81 : vector<512x1xi32> to vector<512x1xi32>
      %broadcast_in_dim3A_104 = vector.broadcast %broadcast_in_dim3A_103 : vector<512x1xi32> to vector<512x8xi32>
      %select_n3A_105 = arith.select %eq3A_102, %broadcast_in_dim3A_104, %concatenate3A_91 : vector<512x8xi1>, vector<512x8xi32>
      %select_n3A_106 = arith.select %lt3A_100, %get3A_61, %select_n3A_105 : vector<512x8xi1>, vector<512x8xi32>
      %swap3A_107 = arith.constant 0 : index
      %swap3A_108 = arith.constant 0 : index
      %swap3A_109 = vector.load %arg5[%swap3A_107, %swap3A_108] : memref<1024x8xf32, #tpu.memory_space<vmem>>, vector<512x8xf32>
      tpu.vector_store %arg5[%swap3A_107, %swap3A_108], %select_n3A_98 {strides = array<i32>} : memref<1024x8xf32, #tpu.memory_space<vmem>>, vector<512x8xf32>,
      %swap3A_110 = arith.constant 0 : index
      %swap3A_111 = arith.constant 0 : index
      %swap3A_112 = vector.load %arg6[%swap3A_110, %swap3A_111] : memref<1024x8xi32, #tpu.memory_space<vmem>>, vector<512x8xi32>
      tpu.vector_store %arg6[%swap3A_110, %swap3A_111], %select_n3A_106 {strides = array<i32>} : memref<1024x8xi32, #tpu.memory_space<vmem>>, vector<512x8xi32>,
      %slice3A_113 = vector.extract_strided_slice %select_n3A_98 {offsets = [0, 7], sizes = [512, 1], strides = [1, 1]} : vector<512x8xf32> to vector<512x1xf32>
      %sub3A_114 = arith.subf %broadcast_in_dim3A_77, %slice3A_113 : vector<512x1xf32>
      %reduce_max3A_115 = vector.shape_cast %sub3A_114 : vector<512x1xf32> to vector<1x512x1xf32>
      %reduce_max3A_116 = arith.constant dense<0xFF800000> : vector<1xf32>
      %reduce_max3A_117 = vector.multi_reduction <maximumf>, %reduce_max3A_115, %reduce_max3A_116 [1, 2] : vector<1x512x1xf32> to vector<1xf32>
      %reduce_max3A_118 = vector.shape_cast %reduce_max3A_117 : vector<1xf32> to vector<1x1x1xf32>
      %reduce_max3A_119 = vector.extract %reduce_max3A_118[0, 0, 0] : f32 from vector<1x1x1xf32>
      %gt3A_120 = arith.constant 0.000000e+00 : f32
      %gt3A_121 = arith.cmpf ogt, %reduce_max3A_119, %gt3A_120 : f32
      %add3A_122 = arith.constant 1 : i32
      %add3A_123 = arith.addi %while3A_50, %add3A_122 : i32
      scf.yield %add3A_123, %gt3A_121, %broadcast_in_dim3A_77 : i32, i1, vector<512x1xf32>
    }
    %slice3A_28 = vector.extract_strided_slice %dot_general3A_11 {offsets = [512, 0], sizes = [512, 2048], strides = [1, 1]} : vector<1024x2048xf32> to vector<512x2048xf32>
    %reduce_max3A_29 = arith.constant dense<0xFF800000> : vector<512xf32>
    %reduce_max3A_30 = vector.multi_reduction <maximumf>, %slice3A_28, %reduce_max3A_29 [1] : vector<512x2048xf32> to vector<512xf32>
    %broadcast_in_dim3A_31 = vector.shape_cast %reduce_max3A_30 : vector<512xf32> to vector<512x1xf32>
    %get3A_32 = arith.constant 512 : index
    %get3A_33 = arith.constant 7 : index
    %get3A_34 = vector.load %arg5[%get3A_32, %get3A_33] : memref<1024x8xf32, #tpu.memory_space<vmem>>, vector<512x1xf32>
    %sub3A_35 = arith.subf %broadcast_in_dim3A_31, %get3A_34 : vector<512x1xf32>
    %reduce_max3A_36 = vector.shape_cast %sub3A_35 : vector<512x1xf32> to vector<1x512x1xf32>
    %reduce_max3A_37 = arith.constant dense<0xFF800000> : vector<1xf32>
    %reduce_max3A_38 = vector.multi_reduction <maximumf>, %reduce_max3A_36, %reduce_max3A_37 [1, 2] : vector<1x512x1xf32> to vector<1xf32>
    %reduce_max3A_39 = vector.shape_cast %reduce_max3A_38 : vector<1xf32> to vector<1x1x1xf32>
    %reduce_max3A_40 = vector.extract %reduce_max3A_39[0, 0, 0] : f32 from vector<1x1x1xf32>
    %gt3A_41 = arith.constant 0.000000e+00 : f32
    %gt3A_42 = arith.cmpf ogt, %reduce_max3A_40, %gt3A_41 : f32
    %while3A_43 = arith.constant 0 : i32
    %while3A_44:3 = scf.while (%while3A_50 = %while3A_43, %while3A_51 = %gt3A_42, %while3A_52 = %broadcast_in_dim3A_31) : (i32, i1, vector<512x1xf32>) -> (i32, i1, vector<512x1xf32>) {
      %lt3A = arith.constant 8 : i32
      %lt3A_53 = arith.cmpi slt, %while3A_50, %lt3A : i32
      %and3A = arith.andi %lt3A_53, %while3A_51 : i1
      scf.condition(%and3A) %while3A_50, %while3A_51, %while3A_52 : i32, i1, vector<512x1xf32>
    } do {
    ^bb0(%while3A_50: i32, %while3A_51: i1, %while3A_52: vector<512x1xf32>):
      %get3A_53 = arith.constant 512 : index
      %get3A_54 = arith.constant 0 : index
      %get3A_55 = vector.load %arg7[%get3A_53, %get3A_54] : memref<1024x2048xf32, #tpu.memory_space<vmem>>, vector<512x2048xf32>
      %get3A_56 = arith.constant 512 : index
      %get3A_57 = arith.constant 0 : index
      %get3A_58 = vector.load %arg5[%get3A_56, %get3A_57] : memref<1024x8xf32, #tpu.memory_space<vmem>>, vector<512x8xf32>
      %get3A_59 = arith.constant 512 : index
      %get3A_60 = arith.constant 0 : index
      %get3A_61 = vector.load %arg6[%get3A_59, %get3A_60] : memref<1024x8xi32, #tpu.memory_space<vmem>>, vector<512x8xi32>
      %eq3A_62 = vector.broadcast %while3A_52 : vector<512x1xf32> to vector<512x2048xf32>
      %eq3A_63 = arith.cmpf oeq, %get3A_55, %eq3A_62 : vector<512x2048xf32>
      %jit3A = arith.constant 1.000000e+09 : f32
      %broadcast_in_dim3A_64 = vector.broadcast %jit3A : f32 to vector<512x2048xf32>
      %select_n3A = arith.select %eq3A_63, %convert_element_type3A_14, %broadcast_in_dim3A_64 : vector<512x2048xi1>, vector<512x2048xf32>
      %reduce_min3A = arith.constant dense<0x7F800000> : vector<512xf32>
      %reduce_min3A_65 = vector.multi_reduction <minimumf>, %select_n3A, %reduce_min3A [1] : vector<512x2048xf32> to vector<512xf32>
      %broadcast_in_dim3A_66 = vector.shape_cast %reduce_min3A_65 : vector<512xf32> to vector<512x1xf32>
      %eq3A_67 = vector.broadcast %broadcast_in_dim3A_66 : vector<512x1xf32> to vector<512x2048xf32>
      %eq3A_68 = arith.cmpf oeq, %convert_element_type3A_14, %eq3A_67 : vector<512x2048xf32>
      %jit3A_69 = arith.constant -2.000000e+00 : f32
      %broadcast_in_dim3A_70 = vector.broadcast %jit3A_69 : f32 to vector<512x2048xf32>
      %select_n3A_71 = arith.select %eq3A_68, %broadcast_in_dim3A_70, %get3A_55 : vector<512x2048xi1>, vector<512x2048xf32>
      %swap3A_72 = arith.constant 512 : index
      %swap3A_73 = arith.constant 0 : index
      %swap3A_74 = vector.load %arg7[%swap3A_72, %swap3A_73] : memref<1024x2048xf32, #tpu.memory_space<vmem>>, vector<512x2048xf32>
      tpu.vector_store %arg7[%swap3A_72, %swap3A_73], %select_n3A_71 {strides = array<i32>} : memref<1024x2048xf32, #tpu.memory_space<vmem>>, vector<512x2048xf32>,
      %reduce_max3A_75 = arith.constant dense<0xFF800000> : vector<512xf32>
      %reduce_max3A_76 = vector.multi_reduction <maximumf>, %select_n3A_71, %reduce_max3A_75 [1] : vector<512x2048xf32> to vector<512xf32>
      %broadcast_in_dim3A_77 = vector.shape_cast %reduce_max3A_76 : vector<512xf32> to vector<512x1xf32>
      %convert_element_type3A_78 = arith.fptosi %broadcast_in_dim3A_66 : vector<512x1xf32> to vector<512x1xi32>
      %mul3A_79 = arith.constant 2048 : i32
      %mul3A_80 = arith.muli %arg0, %mul3A_79 : i32
      %add3A = vector.broadcast %mul3A_80 : i32 to vector<512x1xi32>
      %add3A_81 = arith.addi %convert_element_type3A_78, %add3A : vector<512x1xi32>
      %ge3A = vector.broadcast %while3A_52 : vector<512x1xf32> to vector<512x8xf32>
      %ge3A_82 = arith.cmpf oge, %get3A_58, %ge3A : vector<512x8xf32>
      %convert_element_type3A_83 = arith.extui %ge3A_82 : vector<512x8xi1> to vector<512x8xi32>
      %reduce_sum3A_84 = arith.constant dense<0> : vector<512xi32>
      %reduce_sum3A_85 = vector.multi_reduction <add>, %convert_element_type3A_83, %reduce_sum3A_84 [1] : vector<512x8xi32> to vector<512xi32>
      %broadcast_in_dim3A_86 = vector.shape_cast %reduce_sum3A_85 : vector<512xi32> to vector<512x1xi32>
      %slice3A_87 = vector.extract_strided_slice %get3A_58 {offsets = [0, 0], sizes = [512, 1], strides = [1, 1]} : vector<512x8xf32> to vector<512x1xf32>
      %slice3A_88 = vector.extract_strided_slice %get3A_58 {offsets = [0, 0], sizes = [512, 7], strides = [1, 1]} : vector<512x8xf32> to vector<512x7xf32>
      %concatenate3A = tpu.concatenate %slice3A_87, %slice3A_88 in 1 : vector<512x1xf32>, vector<512x7xf32> -> vector<512x8xf32>
      %slice3A_89 = vector.extract_strided_slice %get3A_61 {offsets = [0, 0], sizes = [512, 1], strides = [1, 1]} : vector<512x8xi32> to vector<512x1xi32>
      %slice3A_90 = vector.extract_strided_slice %get3A_61 {offsets = [0, 0], sizes = [512, 7], strides = [1, 1]} : vector<512x8xi32> to vector<512x7xi32>
      %concatenate3A_91 = tpu.concatenate %slice3A_89, %slice3A_90 in 1 : vector<512x1xi32>, vector<512x7xi32> -> vector<512x8xi32>
      %lt3A = vector.broadcast %broadcast_in_dim3A_86 : vector<512x1xi32> to vector<512x8xi32>
      %lt3A_92 = arith.cmpi slt, %iota3A_15, %lt3A : vector<512x8xi32>
      %eq3A_93 = vector.broadcast %broadcast_in_dim3A_86 : vector<512x1xi32> to vector<512x8xi32>
      %eq3A_94 = arith.cmpi eq, %iota3A_15, %eq3A_93 : vector<512x8xi32>
      %broadcast_in_dim3A_95 = vector.shape_cast %while3A_52 : vector<512x1xf32> to vector<512x1xf32>
      %broadcast_in_dim3A_96 = vector.broadcast %broadcast_in_dim3A_95 : vector<512x1xf32> to vector<512x8xf32>
      %select_n3A_97 = arith.select %eq3A_94, %broadcast_in_dim3A_96, %concatenate3A : vector<512x8xi1>, vector<512x8xf32>
      %select_n3A_98 = arith.select %lt3A_92, %get3A_58, %select_n3A_97 : vector<512x8xi1>, vector<512x8xf32>
      %lt3A_99 = vector.broadcast %broadcast_in_dim3A_86 : vector<512x1xi32> to vector<512x8xi32>
      %lt3A_100 = arith.cmpi slt, %iota3A_15, %lt3A_99 : vector<512x8xi32>
      %eq3A_101 = vector.broadcast %broadcast_in_dim3A_86 : vector<512x1xi32> to vector<512x8xi32>
      %eq3A_102 = arith.cmpi eq, %iota3A_15, %eq3A_101 : vector<512x8xi32>
      %broadcast_in_dim3A_103 = vector.shape_cast %add3A_81 : vector<512x1xi32> to vector<512x1xi32>
      %broadcast_in_dim3A_104 = vector.broadcast %broadcast_in_dim3A_103 : vector<512x1xi32> to vector<512x8xi32>
      %select_n3A_105 = arith.select %eq3A_102, %broadcast_in_dim3A_104, %concatenate3A_91 : vector<512x8xi1>, vector<512x8xi32>
      %select_n3A_106 = arith.select %lt3A_100, %get3A_61, %select_n3A_105 : vector<512x8xi1>, vector<512x8xi32>
      %swap3A_107 = arith.constant 512 : index
      %swap3A_108 = arith.constant 0 : index
      %swap3A_109 = vector.load %arg5[%swap3A_107, %swap3A_108] : memref<1024x8xf32, #tpu.memory_space<vmem>>, vector<512x8xf32>
      tpu.vector_store %arg5[%swap3A_107, %swap3A_108], %select_n3A_98 {strides = array<i32>} : memref<1024x8xf32, #tpu.memory_space<vmem>>, vector<512x8xf32>,
      %swap3A_110 = arith.constant 512 : index
      %swap3A_111 = arith.constant 0 : index
      %swap3A_112 = vector.load %arg6[%swap3A_110, %swap3A_111] : memref<1024x8xi32, #tpu.memory_space<vmem>>, vector<512x8xi32>
      tpu.vector_store %arg6[%swap3A_110, %swap3A_111], %select_n3A_106 {strides = array<i32>} : memref<1024x8xi32, #tpu.memory_space<vmem>>, vector<512x8xi32>,
      %slice3A_113 = vector.extract_strided_slice %select_n3A_98 {offsets = [0, 7], sizes = [512, 1], strides = [1, 1]} : vector<512x8xf32> to vector<512x1xf32>
      %sub3A_114 = arith.subf %broadcast_in_dim3A_77, %slice3A_113 : vector<512x1xf32>
      %reduce_max3A_115 = vector.shape_cast %sub3A_114 : vector<512x1xf32> to vector<1x512x1xf32>
      %reduce_max3A_116 = arith.constant dense<0xFF800000> : vector<1xf32>
      %reduce_max3A_117 = vector.multi_reduction <maximumf>, %reduce_max3A_115, %reduce_max3A_116 [1, 2] : vector<1x512x1xf32> to vector<1xf32>
      %reduce_max3A_118 = vector.shape_cast %reduce_max3A_117 : vector<1xf32> to vector<1x1x1xf32>
      %reduce_max3A_119 = vector.extract %reduce_max3A_118[0, 0, 0] : f32 from vector<1x1x1xf32>
      %gt3A_120 = arith.constant 0.000000e+00 : f32
      %gt3A_121 = arith.cmpf ogt, %reduce_max3A_119, %gt3A_120 : f32
      %add3A_122 = arith.constant 1 : i32
      %add3A_123 = arith.addi %while3A_50, %add3A_122 : i32
      scf.yield %add3A_123, %gt3A_121, %broadcast_in_dim3A_77 : i32, i1, vector<512x1xf32>
    }
    %eq3A_45 = arith.constant 31 : i32
    %eq3A_46 = arith.cmpi eq, %arg0, %eq3A_45 : i32
    %convert_element_type3A_47 = arith.extui %eq3A_46 : i1 to i32
    %cond3A_48 = arith.constant 0 : i32
    %cond3A_49 = arith.cmpi ne, %convert_element_type3A_47, %cond3A_48 : i32
    scf.if %cond3A_49 {
      %get3A_50 = arith.constant 0 : index
      %get3A_51 = arith.constant 0 : index
      %get3A_52 = vector.load %arg6[%get3A_50, %get3A_51] : memref<1024x8xi32, #tpu.memory_space<vmem>>, vector<1024x8xi32>
      %swap3A_53 = arith.constant 0 : index
      %swap3A_54 = arith.constant 0 : index
      %swap3A_55 = vector.load %arg3[%swap3A_53, %swap3A_54] : memref<1024x8xi32, #tpu.memory_space<vmem>>, vector<1024x8xi32>
      tpu.vector_store %arg3[%swap3A_53, %swap3A_54], %get3A_52 {strides = array<i32>} : memref<1024x8xi32, #tpu.memory_space<vmem>>, vector<1024x8xi32>,
    } else {
    }
    return
  }
  func.func @transform_0(%arg0: i32) -> (i32, i32) {
    %c0_i32 = arith.constant 0 : i32
    %c0_i32_0 = arith.constant 0 : i32
    %c0_i32_1 = arith.constant 0 : i32
    return %c0_i32, %c0_i32_0 : i32, i32
  }
  func.func @transform_1(%arg0: i32) -> (i32, i32) {
    %c0_i32 = arith.constant 0 : i32
    %c0_i32_0 = arith.constant 0 : i32
    return %arg0, %c0_i32 : i32, i32
  }
  func.func @transform_2(%arg0: i32) -> (i32, i32) {
    %c0_i32 = arith.constant 0 : i32
    %c0_i32_0 = arith.constant 0 : i32
    %c0_i32_1 = arith.constant 0 : i32
    return %c0_i32, %c0_i32_0 : i32, i32
  }
}

</mosaic_0001>

<sc_bundles>
// kernel: kernel.4.cloned.1.call-start
scs
__scs_entry_jumppad:
0x0: {  	(pc) =	sbr.rel $0x88, $3  }
0x1: {  	(tag) =	ssettag $0x0;
	lr =	simm.s32 $0x1  }
0x2: {  	[smem:$0x3F9E] =	sst lr;
	_ =	strace $0xD0000000  }
0x3: {  	_ = 	snop  }
0x4: {  	_ = 	snop  }
0x5: {  	_ = 	snop  }
0x6: {  	_ = 	snop  }
0x7: {  	_ = 	snop  }
__scs_overlays_trampoline_lowered:
0x8: {  	[smem:$0x3FAD] =	sst s0  }
0x9: {  	[smem:$0x3FAE] =	sst s1  }
0xa: {  	[smem:$0x3FAF] =	sst s2  }
0xb: {  	[smem:$0x3FB0] =	sst s3  }
0xc: {  	[smem:$0x3FB1] =	sst s4  }
0xd: {  	[smem:$0x3FB2] =	sst s5  }
0xe: {  	[smem:$0x3FB3] =	sst s6  }
0xf: {  	[smem:$0x3FB4] =	sst s7  }
0x10: {  	[smem:$0x3FB5] =	sst s8  }
0x11: {  	[smem:$0x3FB6] =	sst s9;
	s0 =	simm.s32 @!p0 $0x0  }
0x12: {  	s1 =	sld [smem:$0x3F9C];
	s0 =	simm.s32 @p0 $0x1  }
0x13: {  	[smem:$0x3FB7] =	sst s0;
	s0 =	simm.s32 @!p1 $0x0  }
0x14: {  	s2 =	sld [smem:$0x3F9B];
	s0 =	simm.s32 @p1 $0x1  }
0x15: {  	[smem:$0x3FB8] =	sst s0;
	s0 =	simm.s32 @!p2 $0x0  }
0x16: {  	s3 =	sld [smem:$0x3FDB];
	s0 =	simm.s32 @p2 $0x1  }
0x17: {  	s4 =	simm.s32 $0x1BF5;
	[smem:$0x3FBA] =	sst s0  }
0x18: {  	s0 =	sld [smem:$0x3F9D];
	_ =	swait.ge [sflag:s4], $0x0  }
0x19: {  	s7 =	sld [smem:$0x3F9E]  }
0x1a: {  	s8 =	sadd.s32 $0xFFFFE003, lr  }
0x1b: {  	s9 =	sadd.s32 $0xFFFFFEF7, lr;
	s5 =	simm.s32 $0xFFFFFFFF;
	p2 =	slt.u32 s8, $0xFFFFF086  }
0x1c: {  	p1 =	slt.u32 s9, $0xF7A;
	s5 =	simm.s32 @!p2 $0x0  }
0x1d: {  	s5 =	simm.s32 @p1 $0x1;
	p0 =	seq.s32 s7, s2  }
0x1e: {  	s7 =	smul.u32 @!p0 $0xF7A, s2;
	p2 =	seq.s32 @!p0 s5, $0x0  }
0x1f: {  	s9 =	smul.u32 $0xF7A, s1;
	s8 =	simm.s32 @!p0 $0x1BF5;
	p2 =	por !p2, p0  }
0x20: {  	[sflag:s8] =	ssyncset.s32 @!p0 $0xFFFFF086;
	s6 =	sadd.s32 @!p0 s3, s7;
	s7 =	simm.s32 @!p0 $0x108  }
0x21: {  	s3 =	sadd.s32 s3, s9;
	s6 =	sadd.s32 @!p0 $0x88, s6;
	s7 =	simm.s32 @p2 $0x1082  }
0x22: {  	[simem:s7], [sflag:s8] =	dma.local @!p0 [hbm:s6], $0xF7A  }
0x23: {  	s9 =	sor.u32 $0xD0000000, s2;
	s6 =	simm.s32 $0x108;
	_ =	swait.ge @!p0 [sflag:s8], $0x0  }
0x24: {  	s3 =	sadd.s32 $0x88, s3;
	s6 =	simm.s32 @!p1 $0x1082;
	[sflag:s4] =	ssyncset.s32 $0xFFFFF086  }
0x25: {  	[simem:s6], [sflag:s4] =	dma.local [hbm:s3], $0xF7A  }
0x26: {  	[smem:$0x3F9E] =	sst s1;
	(tag) =	ssettag s2;
	_ =	strace s9  }
0x27: {  	s1 =	sld [smem:$0x3FAE]  }
0x28: {  	s2 =	sld [smem:$0x3FAF]  }
0x29: {  	s4 =	sld [smem:$0x3FB1]  }
0x2a: {  	p0 =	seq.s32 s5, $0x0;
	s5 =	sld [smem:$0x3FB2]  }
0x2b: {  	s6 =	sld [smem:$0x3FB3]  }
0x2c: {  	s7 =	sld [smem:$0x3FB4]  }
0x2d: {  	s3 =	simm.s32 $0x108;
	s8 =	sld [smem:$0x3FB5]  }
0x2e: {  	s3 =	simm.s32 @!p0 $0x1082;
	s9 =	sld [smem:$0x3FB6]  }
0x2f: {  	lr =	sadd.s32 s0, s3;
	s0 =	sld [smem:$0x3FAD]  }
0x30: {  	s3 =	sld [smem:$0x3FB0]  }
0x31: {  	[smem:$0x3FB9] =	sst s10  }
0x32: {  	s10 =	sld [smem:$0x3FB7];
	_ =	sdelay $0x3  }
0x33: {  	p0 =	seq.s32 s10, $0x1;
	s10 =	sld [smem:$0x3FB9];
	_ =	sdelay $0x3  }
0x34: {  	[smem:$0x3FB9] =	sst s10  }
0x35: {  	s10 =	sld [smem:$0x3FB8];
	_ =	sdelay $0x3  }
0x36: {  	p1 =	seq.s32 s10, $0x1;
	s10 =	sld [smem:$0x3FB9];
	_ =	sdelay $0x3  }
0x37: {  	[smem:$0x3FB9] =	sst s10  }
0x38: {  	s10 =	sld [smem:$0x3FBA]  }
0x39: {  	_ = 	snop;
	(pc) =	sbr.ind lr, $3  }
0x3a: {  	_ = 	snop  }
0x3b: {  	_ = 	snop  }
0x3c: {  	p2 =	seq.s32 s10, $0x1;
	s10 =	sld [smem:$0x3FB9]  }
0x3d: {  	_ =	shalt  }
0x3e: {  	_ =	shalt  }
0x3f: {  	_ =	shalt  }
0x40: {  	_ =	shalt  }
0x41: {  	_ =	shalt  }
0x42: {  	_ =	shalt  }
0x43: {  	_ =	shalt  }
0x44: {  	_ =	shalt  }
0x45: {  	_ =	shalt  }
0x46: {  	_ =	shalt  }
0x47: {  	_ =	shalt  }
0x48: {  	_ =	shalt  }
0x49: {  	_ =	shalt  }
0x4a: {  	_ =	shalt  }
0x4b: {  	_ =	shalt  }
0x4c: {  	_ =	shalt  }
0x4d: {  	_ =	shalt  }
0x4e: {  	_ =	shalt  }
0x4f: {  	_ =	shalt  }
0x50: {  	_ =	shalt  }
0x51: {  	_ =	shalt  }
0x52: {  	_ =	shalt  }
0x53: {  	_ =	shalt  }
0x54: {  	_ =	shalt  }
0x55: {  	_ =	shalt  }
0x56: {  	_ =	shalt  }
0x57: {  	_ =	shalt  }
0x58: {  	_ =	shalt  }
0x59: {  	_ =	shalt  }
0x5a: {  	_ =	shalt  }
0x5b: {  	_ =	shalt  }
0x5c: {  	_ =	shalt  }
0x5d: {  	_ =	shalt  }
0x5e: {  	_ =	shalt  }
0x5f: {  	_ =	shalt  }
0x60: {  	_ =	shalt  }
0x61: {  	_ =	shalt  }
0x62: {  	_ =	shalt  }
0x63: {  	_ =	shalt  }
0x64: {  	_ =	shalt  }
0x65: {  	_ =	shalt  }
0x66: {  	_ =	shalt  }
0x67: {  	_ =	shalt  }
0x68: {  	_ =	shalt  }
0x69: {  	_ =	shalt  }
0x6a: {  	_ =	shalt  }
0x6b: {  	_ =	shalt  }
0x6c: {  	_ =	shalt  }
0x6d: {  	_ =	shalt  }
0x6e: {  	_ =	shalt  }
0x6f: {  	_ =	shalt  }
0x70: {  	_ =	shalt  }
0x71: {  	_ =	shalt  }
0x72: {  	_ =	shalt  }
0x73: {  	_ =	shalt  }
0x74: {  	_ =	shalt  }
0x75: {  	_ =	shalt  }
0x76: {  	_ =	shalt  }
0x77: {  	_ =	shalt  }
0x78: {  	_ =	shalt  }
0x79: {  	_ =	shalt  }
0x7a: {  	_ =	shalt  }
0x7b: {  	_ =	shalt  }
0x7c: {  	_ =	shalt  }
0x7d: {  	_ =	shalt  }
0x7e: {  	_ =	shalt  }
0x7f: {  	_ =	shalt  }
0x80: {  	_ =	shalt  }
0x81: {  	_ =	shalt  }
0x82: {  	_ =	shalt  }
0x83: {  	_ =	shalt  }
0x84: {  	_ =	shalt  }
0x85: {  	_ =	shalt  }
0x86: {  	_ =	shalt  }
0x87: {  	_ =	shalt  }
.Lfunc_end0:
.L_simem_size_0:
called_computation_lowered:
.L_overlay_start_0:
0x88: {  	s2 =	sld [smem:$0x3FD9]  }
0x89: {  	s3 =	sld [smem:$0x3FFE];
	_ =	sdelay $0x1  }
0x8a: {  	s1 =	srdreg.scid  }
0x8b: {  	s0 =	sand.u32 $0x1, s1  }
0x8c: {  	s14 =	sshll.u32 s0, $0xA;
	s2 =	sadd.s32 s3, s2  }
0x8d: {  	s2 =	sadd.s32 s2, s14  }
0x8e: {  	[smem:$0x3FC5] =	sst s2  }
0x8f: {  	_ = 	snop  }
0x90: {  	s2 =	sld [smem:$0x3FD0];
	_ =	sdelay $0x1  }
0x91: {  	s15 =	sld [smem:$0x3FC8]  }
0x92: {  	s5 =	simm.s32 $0xA;
	s6 =	simm.s32 $0x10;
	s4 =	sld [smem:$0x3FC7]  }
0x93: {  	[smem:s6], [sflag:s5] =	dma.local [hbm:s2], $0x1  }
0x94: {  	_ =	swait.eq [sflag:s5], $0x1  }
0x95: {  	[sflag:s5] =	ssyncset.done $0x0  }
0x96: {  	s16 =	sld [smem:$0x10];
	[sflag:s5] =	ssyncadd.s32 $0xFFFFFFFF  }
0x97: {  	s17 =	sld [smem:$0x11];
	(tm) =	ssettm $0x1  }
0x98: {  	s18 =	sld [smem:$0x3FFB];
	_ =	sdelay $0x3  }
0x99: {  	_ =	strace s18  }
0x9a: {  	s6 =	sld [smem:$0x3FFC];
	_ =	sdelay $0x3  }
0x9b: {  	_ =	strace s6  }
0x9c: {  	s6 =	sld [smem:$0x3FFD];
	_ =	sdelay $0x3  }
0x9d: {  	_ =	strace s6  }
0x9e: {  	_ =	strace $0x8FFFFFFF  }
0x9f: {  	s19 =	sld [smem:$0x3FDB];
	_ =	sdelay $0x1  }
0xa0: {  	s7 =	simm.s32 $_scs_section_size  }
0xa1: {  	s8 =	simm.s32 $_size__tile_overlayer_lowered;
	s9 =	simm.s32 $_tile_overlayer_lowered  }
0xa2: {  	s22 =	simm.s32 $0x1BFF;
	s21 =	sshll.u32 s9, $0x1;
	s6 =	sadd.s32 s7, s19  }
0xa3: {  	s10 =	simm.s32 $0x0;
	s20 =	sshll.u32 s8, $0x1;
	s8 =	sadd.s32 s21, s6  }
0xa4: {  	[timem:s10], [sflag:s22] =	dma.local [hbm:s8], s20  }
0xa5: {  	_ =	swait.ge [sflag:s22], s20  }
0xa6: {  	s7 =	ssub.s32 $0x0, s20;
	[sflag:s22] =	ssyncset.done $0x0  }
0xa7: {  	[sflag:s22] =	ssyncadd.s32 s7;
	_ =	sdelay $0x1  }
0xa8: {  	s23 =	simm.s32 $0x1B8B  }
0xa9: {  	_ =	swait.ge [sflag:s23], $0x1  }
0xaa: {  	[sflag:s23] =	ssyncset.done $0x0  }
0xab: {  	s25 =	simm.s32 $0x1B8E;
	s24 =	sld [smem:$0x3FFE];
	[sflag:s23] =	ssyncadd.s32 $0xFFFFFFFF  }
0xac: {  	s26 =	simm.s32 $execute0_lowered;
	[smem:$0x3FD2] =	sst s25  }
0xad: {  	s8 =	sshll.u32 s26, $0x1;
	_ =	strace $0x80000046;
	[dreg:$0x1] =	wrdreg $0xFFFFFFFF  }
0xae: {  	s28 =	simm.s32 $_size_execute0_lowered;
	s6 =	sadd.s32 s6, s8;
	[dreg:$0x0] =	wrdreg $0x0  }
0xaf: {  	s8 =	sshll.u32 s28, $0x1;
	[dreg:$0x2] =	wrdreg s6  }
0xb0: {  	[dreg:$0x3] =	wrdreg s8  }
0xb1: {  	[dreg:$0x4] =	wrdreg $0xC0  }
0xb2: {  	_ =	task [dreg:s10], $0x5FFFF  }
0xb3: {  	[dreg:$0x1] =	wrdreg $0xFFFFFFFF  }
0xb4: {  	[dreg:$0x0] =	wrdreg $0x60  }
0xb5: {  	[dreg:$0x2] =	wrdreg s15  }
0xb6: {  	[dreg:$0x3] =	wrdreg s4  }
0xb7: {  	[dreg:$0x4] =	wrdreg s24  }
0xb8: {  	[dreg:$0x5] =	wrdreg s16  }
0xb9: {  	[dreg:$0x6] =	wrdreg s17  }
0xba: {  	[dreg:$0x7] =	wrdreg $0x9  }
0xbb: {  	_ =	task.clear_ibuf [dreg:s10], $0x8FFFF;
	_ =	strace $0x90000046  }
0xbc: {  	s29 =	simm.s32 $0x9;
	_ =	strace $0x80000048  }
0xbd: {  	_ =	swait.ge [sflag:s29], $0x1  }
0xbe: {  	[sflag:s29] =	ssyncadd.s32 $0xFFFFFFFF  }
0xbf: {  	_ =	strace $0x90000048  }
0xc0: {  	_ =	sfence  }
0xc1: {  	s30 =	sld [smem:$0x0];
	_ =	sdelay $0x2  }
0xc2: {  	s31 =	sshll.u32 s1, $0xD;
	s1 =	sshrl.u32 s1, $0x2  }
0xc3: {  	s3 =	sand.u32 $0x4000, s31;
	s1 =	sadd.s32 s1, s30  }
0xc4: {  	s0 =	sor.u32 s3, s0;
	s1 =	sshll.u32 s1, $0x11  }
0xc5: {  	s0 =	sor.u32 s1, s0  }
0xc6: {  	s0 =	sadd.s32 $0x8F2B, s0  }
0xc7: {  	[sflag:s0] =	ssyncadd.remote.s32 $0x1  }
0xc8: {  	_ =	sfence.sel $0xFFFF  }
0xc9: {  	[dreg:$0x0] =	wrdreg $0xFFFFFFFF;
	(pc) =	sbr.abs _section_cstart, $3  }
0xca: {  	[dreg:$0x1] =	wrdreg $0xFFFFFFFF  }
0xcb: {  	_ =	task.clear_ibuf [dreg:s10], $0x2FFFF;
	_ =	strace $0x9FFFFFFF  }
0xcc: {  	(tm) =	ssettm $0x7FFFFFFF  }
0xcd: {  	_ =	shalt  }
tec
execute0_lowered:
.L_overlay_start_1:
0x0: {  	(tag) =	ssettag $0x1  }
0x1: {  	s1 =	rddreg [dreg:$0x0]  }
0x2: {  	s2 =	rddreg [dreg:$0x1];
	s0 =	srdreg.scid  }
0x3: {  	s3 =	rddreg [dreg:$0x2];
	s4 =	stileid.u32;
	s0 =	sand.u32 $0x1, s0  }
0x4: {  	s6 =	rddreg [dreg:$0x3];
	s4 =	sshll.u32 s4, $0x9;
	s5 =	sshll.u32 s0, $0x8  }
0x5: {  	s7 =	rddreg [dreg:$0x4];
	s5 =	sor.u32 s5, s4  }
0x6: {  	s4 =	simm.s32 $0x0;
	s8 =	sshrl.u32 s5, $0x3;
	s5 =	sshll.u32 s5, $0x6  }
0x7: {  	[smem:$0x7FF] =	sst s4;
	s3 =	sadd.s32 s8, s3;
	s31 =	sadd.s32 s6, s5  }
0x8: {  	_ =	strace $0x80000047;
	s8 =	sadd.s32 s7, s5;
	[dreg:$0x7] =	wrdreg s31  }
0x9: {  	s9 =	sor.u32 $0x800, s5;
	s3 =	sadd.s32 $0xA00, s3;
	[dreg:$0x8] =	wrdreg s8  }
0xa: {  	s10 =	sadd.s32 s6, s9;
	[dreg:$0x6] =	wrdreg s3  }
0xb: {  	s12 =	sor.u32 $0x1000, s5;
	s11 =	sadd.s32 s7, s9;
	[dreg:$0x9] =	wrdreg s10  }
0xc: {  	s30 =	simm.s32 $0x100;
	s13 =	sadd.s32 s6, s12;
	[dreg:$0xa] =	wrdreg s11  }
0xd: {  	s15 =	sor.u32 $0x1800, s5;
	s14 =	sadd.s32 s7, s12;
	[dreg:$0xb] =	wrdreg s13  }
0xe: {  	s0 =	ssub.s32 $0x2, s0;
	s16 =	sadd.s32 s6, s15;
	[dreg:$0xc] =	wrdreg s14  }
0xf: {  	s18 =	sor.u32 $0x2000, s5;
	s17 =	sadd.s32 s7, s15;
	[dreg:$0xd] =	wrdreg s16  }
0x10: {  	s21 =	sor.u32 $0x2800, s5;
	s19 =	sadd.s32 s6, s18;
	[dreg:$0xe] =	wrdreg s17  }
0x11: {  	s24 =	sor.u32 $0x3000, s5;
	s20 =	sadd.s32 s7, s18;
	[dreg:$0xf] =	wrdreg s19  }
0x12: {  	s28 =	sor.u32 $0x3800, s5;
	s22 =	sadd.s32 s6, s21;
	[dreg:$0x10] =	wrdreg s20  }
0x13: {  	s5 =	sadd.s32 $0x100, s1;
	s23 =	sadd.s32 s7, s21;
	[dreg:$0x11] =	wrdreg s22  }
0x14: {  	s9 =	sshrl.u32 s0, $0x1;
	s25 =	sadd.s32 s6, s24;
	[dreg:$0x12] =	wrdreg s23  }
0x15: {  	s26 =	sadd.s32 s7, s24;
	s29 =	sadd.s32 s6, s28;
	[dreg:$0x13] =	wrdreg s25  }
0x16: {  	s6 =	sadd.s32 $0x100, s2;
	s31 =	sadd.s32 s7, s28;
	[dreg:$0x14] =	wrdreg s26  }
0x17: {  	s8 =	simm.s32 $0x5;
	s21 =	simm.s32 $0x3;
	[dreg:$0x15] =	wrdreg s29  }
0x18: {  	v2 =	vlaneseq.u32;
	s0 =	ssub.s32 s0, s9;
	[dreg:$0x16] =	wrdreg s31;
	s17 =	simm.s32 $0x8100  }
0x19: {  	vm0 =	vmmov $0xffff;
	v1 =	vshrl.u32 v2, $0x3;
	s25 =	simm.s32 $0x4100;
	s10 =	simm.s32 $0xC100;
	s19 =	simm.s32 $0x1  }
0x1a: {  	v0 =	vand.u32 $0x7, v2;
	v2 =	vor.u32 $0x8, v2;
	v1 =	vmul.u32 $0x8, v1;
	s20 =	simm.s32 $0x2;
	s22 =	simm.s32 $0x4;
	s7 =	smax.u32 s0, $0x1  }
.LBB2_1:
0x1b: {  	s23 =	rddreg [dreg:$0x6]  }
0x1c: {  	[tilespmem:s4], [sflag:$0x5] =	stream.linear.gather [hbm4b:s23+s4], $0x100, $0x38;
	[tilespmem:$0x10100] =	vst v63  }
0x1d: {  	_ =	swait.ge [sflag:s8], $0x100  }
0x1e: {  	[sflag:s8] =	ssyncset.done $0x0  }
0x1f: {  	[sflag:s8] =	ssyncadd.s32 $0xFFFFFF00  }
0x20: {  	v3 =	vld [tilespmem:$0x0];
	_ =	sdelay $0x4  }
0x21: {  	v4 =	vshll.u32 v3, $0x2  }
0x22: {  	v3 =	vand.u32 $0x7, v3;
	v4 =	vand.u32 $0xFFFFFFE0, v4  }
0x23: {  	v3 =	vor.u32 v3, v4  }
0x24: {  	v4 =	vperm.xlane v3, v0;
	_ =	sdelay $0x1  }
0x25: {  	v4 =	vadd.s32 v1, v4;
	_ =	sdelay $0x1  }
0x26: {  	v3 =	vperm.xlane v3, v2;
	_ =	sdelay $0x1  }
0x27: {  	v3 =	vadd.s32 v1, v3  }
0x28: {  	[tilespmem:s30], [sflag:$0x1] =	stream.indirect_vreg.gather [hbm4b:s1+s4], $0x80, v4, vm0, $0xb8;
	[tilespmem:$0x10100] =	vst v63  }
0x29: {  	s0 =	simm.s32 $0x900  }
0x2a: {  	[tilespmem:s0], [sflag:$0x1] =	stream.indirect_vreg.gather [hbm4b:s5+s4], $0x80, v4, vm0, $0xb8;
	[tilespmem:$0x10100] =	vst v63  }
0x2b: {  	s15 =	simm.s32 $0x1100  }
0x2c: {  	[tilespmem:s15], [sflag:$0x1] =	stream.indirect_vreg.gather [hbm4b:s1+s4], $0x80, v3, vm0, $0xb8;
	[tilespmem:$0x10100] =	vst v63  }
0x2d: {  	s16 =	simm.s32 $0x1900  }
0x2e: {  	[tilespmem:s16], [sflag:$0x1] =	stream.indirect_vreg.gather [hbm4b:s5+s4], $0x80, v3, vm0, $0xb8;
	[tilespmem:$0x10100] =	vst v63  }
0x2f: {  	v3 =	vld [tilespmem:$0x10];
	_ =	sdelay $0x4  }
0x30: {  	v33 =	vshll.u32 v3, $0x2  }
0x31: {  	v3 =	vand.u32 $0x7, v3;
	v4 =	vand.u32 $0xFFFFFFE0, v33  }
0x32: {  	v3 =	vor.u32 v3, v4  }
0x33: {  	v4 =	vperm.xlane v3, v0;
	_ =	sdelay $0x1  }
0x34: {  	v4 =	vadd.s32 v1, v4;
	_ =	sdelay $0x1  }
0x35: {  	v3 =	vperm.xlane v3, v2;
	_ =	sdelay $0x1  }
0x36: {  	s18 =	simm.s32 $0x2100;
	v3 =	vadd.s32 v1, v3  }
0x37: {  	[tilespmem:s18], [sflag:$0x1] =	stream.indirect_vreg.gather [hbm4b:s1+s4], $0x80, v4, vm0, $0xb8;
	[tilespmem:$0x10100] =	vst v63  }
0x38: {  	s23 =	simm.s32 $0x2900  }
0x39: {  	[tilespmem:s23], [sflag:$0x1] =	stream.indirect_vreg.gather [hbm4b:s5+s4], $0x80, v4, vm0, $0xb8;
	[tilespmem:$0x10100] =	vst v63  }
0x3a: {  	s24 =	simm.s32 $0x3100  }
0x3b: {  	[tilespmem:s24], [sflag:$0x1] =	stream.indirect_vreg.gather [hbm4b:s1+s4], $0x80, v3, vm0, $0xb8;
	[tilespmem:$0x10100] =	vst v63  }
0x3c: {  	s26 =	simm.s32 $0x3900  }
0x3d: {  	[tilespmem:s26], [sflag:$0x1] =	stream.indirect_vreg.gather [hbm4b:s5+s4], $0x80, v3, vm0, $0xb8;
	[tilespmem:$0x10100] =	vst v63  }
0x3e: {  	v3 =	vld [tilespmem:$0x0];
	_ =	sdelay $0x4  }
0x3f: {  	v34 =	vshll.u32 v3, $0x2  }
0x40: {  	v3 =	vand.u32 $0x7, v3;
	v4 =	vand.u32 $0xFFFFFFE0, v34  }
0x41: {  	v3 =	vor.u32 v3, v4  }
0x42: {  	v4 =	vperm.xlane v3, v0;
	_ =	sdelay $0x1  }
0x43: {  	v4 =	vadd.s32 v1, v4;
	_ =	sdelay $0x1  }
0x44: {  	v3 =	vperm.xlane v3, v2;
	_ =	sdelay $0x1  }
0x45: {  	v3 =	vadd.s32 v1, v3  }
0x46: {  	[tilespmem:s17], [sflag:$0x2] =	stream.indirect_vreg.gather [hbm4b:s2+s4], $0x80, v4, vm0, $0xb8;
	[tilespmem:$0x10100] =	vst v63  }
0x47: {  	s28 =	simm.s32 $0x8900  }
0x48: {  	[tilespmem:s28], [sflag:$0x2] =	stream.indirect_vreg.gather [hbm4b:s6+s4], $0x80, v4, vm0, $0xb8;
	[tilespmem:$0x10100] =	vst v63  }
0x49: {  	s29 =	simm.s32 $0x9100  }
0x4a: {  	[tilespmem:s29], [sflag:$0x2] =	stream.indirect_vreg.gather [hbm4b:s2+s4], $0x80, v3, vm0, $0xb8;
	[tilespmem:$0x10100] =	vst v63  }
0x4b: {  	s31 =	simm.s32 $0x9900  }
0x4c: {  	[tilespmem:s31], [sflag:$0x2] =	stream.indirect_vreg.gather [hbm4b:s6+s4], $0x80, v3, vm0, $0xb8;
	[tilespmem:$0x10100] =	vst v63  }
0x4d: {  	v3 =	vld [tilespmem:$0x10];
	_ =	sdelay $0x4  }
0x4e: {  	v35 =	vshll.u32 v3, $0x2  }
0x4f: {  	v3 =	vand.u32 $0x7, v3;
	v4 =	vand.u32 $0xFFFFFFE0, v35  }
0x50: {  	v3 =	vor.u32 v3, v4  }
0x51: {  	v4 =	vperm.xlane v3, v0;
	_ =	sdelay $0x1  }
0x52: {  	v4 =	vadd.s32 v1, v4;
	_ =	sdelay $0x1  }
0x53: {  	v3 =	vperm.xlane v3, v2;
	_ =	sdelay $0x1  }
0x54: {  	s3 =	simm.s32 $0xA100;
	v3 =	vadd.s32 v1, v3  }
0x55: {  	[tilespmem:s3], [sflag:$0x2] =	stream.indirect_vreg.gather [hbm4b:s2+s4], $0x80, v4, vm0, $0xb8;
	[tilespmem:$0x10100] =	vst v63  }
0x56: {  	s11 =	simm.s32 $0xA900  }
0x57: {  	[tilespmem:s11], [sflag:$0x2] =	stream.indirect_vreg.gather [hbm4b:s6+s4], $0x80, v4, vm0, $0xb8;
	[tilespmem:$0x10100] =	vst v63  }
0x58: {  	s12 =	simm.s32 $0xB100  }
0x59: {  	[tilespmem:s12], [sflag:$0x2] =	stream.indirect_vreg.gather [hbm4b:s2+s4], $0x80, v3, vm0, $0xb8;
	[tilespmem:$0x10100] =	vst v63  }
0x5a: {  	s13 =	simm.s32 $0xB900  }
0x5b: {  	[tilespmem:s13], [sflag:$0x2] =	stream.indirect_vreg.gather [hbm4b:s6+s4], $0x80, v3, vm0, $0xb8;
	[tilespmem:$0x10100] =	vst v63  }
0x5c: {  	v3 =	vld [tilespmem:$0x20];
	_ =	sdelay $0x4  }
0x5d: {  	v36 =	vshll.u32 v3, $0x2  }
0x5e: {  	v3 =	vand.u32 $0x7, v3;
	v4 =	vand.u32 $0xFFFFFFE0, v36  }
0x5f: {  	v3 =	vor.u32 v3, v4  }
0x60: {  	v4 =	vperm.xlane v3, v0;
	_ =	sdelay $0x1  }
0x61: {  	v4 =	vadd.s32 v1, v4;
	_ =	sdelay $0x1  }
0x62: {  	v3 =	vperm.xlane v3, v2;
	_ =	sdelay $0x1  }
0x63: {  	v3 =	vadd.s32 v1, v3  }
0x64: {  	[tilespmem:s25], [sflag:$0x3] =	stream.indirect_vreg.gather [hbm4b:s1+s4], $0x80, v4, vm0, $0xb8;
	[tilespmem:$0x10100] =	vst v63  }
0x65: {  	s14 =	simm.s32 $0x4900  }
0x66: {  	[tilespmem:s14], [sflag:$0x3] =	stream.indirect_vreg.gather [hbm4b:s5+s4], $0x80, v4, vm0, $0xb8;
	[tilespmem:$0x10100] =	vst v63  }
0x67: {  	s15 =	simm.s32 $0x5100  }
0x68: {  	[tilespmem:s15], [sflag:$0x3] =	stream.indirect_vreg.gather [hbm4b:s1+s4], $0x80, v3, vm0, $0xb8;
	[tilespmem:$0x10100] =	vst v63  }
0x69: {  	s26 =	simm.s32 $0x5900  }
0x6a: {  	[tilespmem:s26], [sflag:$0x3] =	stream.indirect_vreg.gather [hbm4b:s5+s4], $0x80, v3, vm0, $0xb8;
	[tilespmem:$0x10100] =	vst v63  }
0x6b: {  	v3 =	vld [tilespmem:$0x30];
	_ =	sdelay $0x4  }
0x6c: {  	v37 =	vshll.u32 v3, $0x2  }
0x6d: {  	v3 =	vand.u32 $0x7, v3;
	v4 =	vand.u32 $0xFFFFFFE0, v37  }
0x6e: {  	v3 =	vor.u32 v3, v4  }
0x6f: {  	v4 =	vperm.xlane v3, v0;
	_ =	sdelay $0x1  }
0x70: {  	v4 =	vadd.s32 v1, v4;
	_ =	sdelay $0x1  }
0x71: {  	v3 =	vperm.xlane v3, v2;
	_ =	sdelay $0x1  }
0x72: {  	s28 =	simm.s32 $0x6100;
	v3 =	vadd.s32 v1, v3  }
0x73: {  	[tilespmem:s28], [sflag:$0x3] =	stream.indirect_vreg.gather [hbm4b:s1+s4], $0x80, v4, vm0, $0xb8;
	[tilespmem:$0x10100] =	vst v63  }
0x74: {  	s29 =	simm.s32 $0x6900  }
0x75: {  	[tilespmem:s29], [sflag:$0x3] =	stream.indirect_vreg.gather [hbm4b:s5+s4], $0x80, v4, vm0, $0xb8;
	[tilespmem:$0x10100] =	vst v63  }
0x76: {  	s0 =	simm.s32 $0x7100  }
0x77: {  	[tilespmem:s0], [sflag:$0x3] =	stream.indirect_vreg.gather [hbm4b:s1+s4], $0x80, v3, vm0, $0xb8;
	[tilespmem:$0x10100] =	vst v63  }
0x78: {  	s3 =	simm.s32 $0x7900  }
0x79: {  	[tilespmem:s3], [sflag:$0x3] =	stream.indirect_vreg.gather [hbm4b:s5+s4], $0x80, v3, vm0, $0xb8;
	[tilespmem:$0x10100] =	vst v63  }
0x7a: {  	v3 =	vld [tilespmem:$0x20];
	_ =	sdelay $0x4  }
0x7b: {  	v38 =	vshll.u32 v3, $0x2  }
0x7c: {  	v3 =	vand.u32 $0x7, v3;
	v4 =	vand.u32 $0xFFFFFFE0, v38  }
0x7d: {  	v3 =	vor.u32 v3, v4  }
0x7e: {  	v4 =	vperm.xlane v3, v0;
	_ =	sdelay $0x1  }
0x7f: {  	v4 =	vadd.s32 v1, v4;
	_ =	sdelay $0x1  }
0x80: {  	v3 =	vperm.xlane v3, v2;
	_ =	sdelay $0x1  }
0x81: {  	v3 =	vadd.s32 v1, v3  }
0x82: {  	[tilespmem:s10], [sflag:$0x4] =	stream.indirect_vreg.gather [hbm4b:s2+s4], $0x80, v4, vm0, $0xb8;
	[tilespmem:$0x10100] =	vst v63  }
0x83: {  	s11 =	simm.s32 $0xC900  }
0x84: {  	[tilespmem:s11], [sflag:$0x4] =	stream.indirect_vreg.gather [hbm4b:s6+s4], $0x80, v4, vm0, $0xb8;
	[tilespmem:$0x10100] =	vst v63  }
0x85: {  	s12 =	simm.s32 $0xD100  }
0x86: {  	[tilespmem:s12], [sflag:$0x4] =	stream.indirect_vreg.gather [hbm4b:s2+s4], $0x80, v3, vm0, $0xb8;
	[tilespmem:$0x10100] =	vst v63  }
0x87: {  	s15 =	simm.s32 $0xD900  }
0x88: {  	[tilespmem:s15], [sflag:$0x4] =	stream.indirect_vreg.gather [hbm4b:s6+s4], $0x80, v3, vm0, $0xb8;
	[tilespmem:$0x10100] =	vst v63  }
0x89: {  	v3 =	vld [tilespmem:$0x30];
	_ =	sdelay $0x4  }
0x8a: {  	v39 =	vshll.u32 v3, $0x2  }
0x8b: {  	v3 =	vand.u32 $0x7, v3;
	v4 =	vand.u32 $0xFFFFFFE0, v39  }
0x8c: {  	v3 =	vor.u32 v3, v4  }
0x8d: {  	v4 =	vperm.xlane v3, v0;
	_ =	sdelay $0x1  }
0x8e: {  	v4 =	vadd.s32 v1, v4;
	_ =	sdelay $0x1  }
0x8f: {  	v3 =	vperm.xlane v3, v2;
	_ =	sdelay $0x1  }
0x90: {  	s26 =	simm.s32 $0xE100;
	v3 =	vadd.s32 v1, v3  }
0x91: {  	[tilespmem:s26], [sflag:$0x4] =	stream.indirect_vreg.gather [hbm4b:s2+s4], $0x80, v4, vm0, $0xb8;
	[tilespmem:$0x10100] =	vst v63  }
0x92: {  	s28 =	simm.s32 $0xE900  }
0x93: {  	[tilespmem:s28], [sflag:$0x4] =	stream.indirect_vreg.gather [hbm4b:s6+s4], $0x80, v4, vm0, $0xb8;
	[tilespmem:$0x10100] =	vst v63  }
0x94: {  	s29 =	simm.s32 $0xF100  }
0x95: {  	[tilespmem:s29], [sflag:$0x4] =	stream.indirect_vreg.gather [hbm4b:s2+s4], $0x80, v3, vm0, $0xb8;
	[tilespmem:$0x10100] =	vst v63  }
0x96: {  	s0 =	simm.s32 $0xF900  }
0x97: {  	[tilespmem:s0], [sflag:$0x4] =	stream.indirect_vreg.gather [hbm4b:s6+s4], $0x80, v3, vm0, $0xb8;
	[tilespmem:$0x10100] =	vst v63  }
0x98: {  	_ =	swait.ge [sflag:s19], $0x4000  }
0x99: {  	[sflag:s19] =	ssyncset.done $0x0  }
0x9a: {  	[sflag:s19] =	ssyncadd.s32 $0xFFFFC000  }
0x9b: {  	_ =	swait.ge [sflag:s20], $0x4000  }
0x9c: {  	[sflag:s20] =	ssyncset.done $0x0  }
0x9d: {  	s3 =	rddreg [dreg:$0x7];
	[sflag:s20] =	ssyncadd.s32 $0xFFFFC000  }
0x9e: {  	[hbm4b:s3+s4] =	stream.linear.scatter [tilespmem:s30], [sflag:$0x5], $0x4000, $0x38;
	[tilespmem:$0x10100] =	vst v63  }
0x9f: {  	_ =	swait.ge [sflag:s8], $0x4000  }
0xa0: {  	[sflag:s8] =	ssyncset.done $0x0  }
0xa1: {  	s15 =	rddreg [dreg:$0x8];
	[sflag:s8] =	ssyncadd.s32 $0xFFFFC000  }
0xa2: {  	[hbm4b:s15+s4] =	stream.linear.scatter [tilespmem:s17], [sflag:$0x5], $0x4000, $0x38;
	[tilespmem:$0x10100] =	vst v63  }
0xa3: {  	_ =	swait.ge [sflag:s8], $0x4000  }
0xa4: {  	[sflag:s8] =	ssyncset.done $0x0  }
0xa5: {  	[sflag:s8] =	ssyncadd.s32 $0xFFFFC000  }
0xa6: {  	v3 =	vld [tilespmem:$0x40];
	_ =	sdelay $0x4  }
0xa7: {  	v40 =	vshll.u32 v3, $0x2  }
0xa8: {  	v3 =	vand.u32 $0x7, v3;
	v4 =	vand.u32 $0xFFFFFFE0, v40  }
0xa9: {  	v3 =	vor.u32 v3, v4  }
0xaa: {  	v4 =	vperm.xlane v3, v0;
	_ =	sdelay $0x1  }
0xab: {  	v4 =	vadd.s32 v1, v4;
	_ =	sdelay $0x1  }
0xac: {  	v3 =	vperm.xlane v3, v2;
	_ =	sdelay $0x1  }
0xad: {  	v3 =	vadd.s32 v1, v3  }
0xae: {  	[tilespmem:s30], [sflag:$0x1] =	stream.indirect_vreg.gather [hbm4b:s1+s4], $0x80, v4, vm0, $0xb8;
	[tilespmem:$0x10100] =	vst v63  }
0xaf: {  	s0 =	simm.s32 $0x900  }
0xb0: {  	[tilespmem:s0], [sflag:$0x1] =	stream.indirect_vreg.gather [hbm4b:s5+s4], $0x80, v4, vm0, $0xb8;
	[tilespmem:$0x10100] =	vst v63  }
0xb1: {  	s3 =	simm.s32 $0x1100  }
0xb2: {  	[tilespmem:s3], [sflag:$0x1] =	stream.indirect_vreg.gather [hbm4b:s1+s4], $0x80, v3, vm0, $0xb8;
	[tilespmem:$0x10100] =	vst v63  }
0xb3: {  	s9 =	simm.s32 $0x1900  }
0xb4: {  	[tilespmem:s9], [sflag:$0x1] =	stream.indirect_vreg.gather [hbm4b:s5+s4], $0x80, v3, vm0, $0xb8;
	[tilespmem:$0x10100] =	vst v63  }
0xb5: {  	v3 =	vld [tilespmem:$0x50];
	_ =	sdelay $0x4  }
0xb6: {  	v41 =	vshll.u32 v3, $0x2  }
0xb7: {  	v3 =	vand.u32 $0x7, v3;
	v4 =	vand.u32 $0xFFFFFFE0, v41  }
0xb8: {  	v3 =	vor.u32 v3, v4  }
0xb9: {  	v4 =	vperm.xlane v3, v0;
	_ =	sdelay $0x1  }
0xba: {  	v4 =	vadd.s32 v1, v4;
	_ =	sdelay $0x1  }
0xbb: {  	v3 =	vperm.xlane v3, v2;
	_ =	sdelay $0x1  }
0xbc: {  	s9 =	simm.s32 $0x2100;
	v3 =	vadd.s32 v1, v3  }
0xbd: {  	[tilespmem:s9], [sflag:$0x1] =	stream.indirect_vreg.gather [hbm4b:s1+s4], $0x80, v4, vm0, $0xb8;
	[tilespmem:$0x10100] =	vst v63  }
0xbe: {  	s15 =	simm.s32 $0x2900  }
0xbf: {  	[tilespmem:s15], [sflag:$0x1] =	stream.indirect_vreg.gather [hbm4b:s5+s4], $0x80, v4, vm0, $0xb8;
	[tilespmem:$0x10100] =	vst v63  }
0xc0: {  	s16 =	simm.s32 $0x3100  }
0xc1: {  	[tilespmem:s16], [sflag:$0x1] =	stream.indirect_vreg.gather [hbm4b:s1+s4], $0x80, v3, vm0, $0xb8;
	[tilespmem:$0x10100] =	vst v63  }
0xc2: {  	s18 =	simm.s32 $0x3900  }
0xc3: {  	[tilespmem:s18], [sflag:$0x1] =	stream.indirect_vreg.gather [hbm4b:s5+s4], $0x80, v3, vm0, $0xb8;
	[tilespmem:$0x10100] =	vst v63  }
0xc4: {  	v3 =	vld [tilespmem:$0x40];
	_ =	sdelay $0x4  }
0xc5: {  	v42 =	vshll.u32 v3, $0x2  }
0xc6: {  	v3 =	vand.u32 $0x7, v3;
	v4 =	vand.u32 $0xFFFFFFE0, v42  }
0xc7: {  	v3 =	vor.u32 v3, v4  }
0xc8: {  	v4 =	vperm.xlane v3, v0;
	_ =	sdelay $0x1  }
0xc9: {  	v4 =	vadd.s32 v1, v4;
	_ =	sdelay $0x1  }
0xca: {  	v3 =	vperm.xlane v3, v2;
	_ =	sdelay $0x1  }
0xcb: {  	v3 =	vadd.s32 v1, v3  }
0xcc: {  	[tilespmem:s17], [sflag:$0x2] =	stream.indirect_vreg.gather [hbm4b:s2+s4], $0x80, v4, vm0, $0xb8;
	[tilespmem:$0x10100] =	vst v63  }
0xcd: {  	s16 =	simm.s32 $0x8900  }
0xce: {  	[tilespmem:s16], [sflag:$0x2] =	stream.indirect_vreg.gather [hbm4b:s6+s4], $0x80, v4, vm0, $0xb8;
	[tilespmem:$0x10100] =	vst v63  }
0xcf: {  	s18 =	simm.s32 $0x9100  }
0xd0: {  	[tilespmem:s18], [sflag:$0x2] =	stream.indirect_vreg.gather [hbm4b:s2+s4], $0x80, v3, vm0, $0xb8;
	[tilespmem:$0x10100] =	vst v63  }
0xd1: {  	s24 =	simm.s32 $0x9900  }
0xd2: {  	[tilespmem:s24], [sflag:$0x2] =	stream.indirect_vreg.gather [hbm4b:s6+s4], $0x80, v3, vm0, $0xb8;
	[tilespmem:$0x10100] =	vst v63  }
0xd3: {  	v3 =	vld [tilespmem:$0x50];
	_ =	sdelay $0x4  }
0xd4: {  	v43 =	vshll.u32 v3, $0x2  }
0xd5: {  	v3 =	vand.u32 $0x7, v3;
	v4 =	vand.u32 $0xFFFFFFE0, v43  }
0xd6: {  	v3 =	vor.u32 v3, v4  }
0xd7: {  	v4 =	vperm.xlane v3, v0;
	_ =	sdelay $0x1  }
0xd8: {  	v4 =	vadd.s32 v1, v4;
	_ =	sdelay $0x1  }
0xd9: {  	v3 =	vperm.xlane v3, v2;
	_ =	sdelay $0x1  }
0xda: {  	s24 =	simm.s32 $0xA100;
	v3 =	vadd.s32 v1, v3  }
0xdb: {  	[tilespmem:s24], [sflag:$0x2] =	stream.indirect_vreg.gather [hbm4b:s2+s4], $0x80, v4, vm0, $0xb8;
	[tilespmem:$0x10100] =	vst v63  }
0xdc: {  	s26 =	simm.s32 $0xA900  }
0xdd: {  	[tilespmem:s26], [sflag:$0x2] =	stream.indirect_vreg.gather [hbm4b:s6+s4], $0x80, v4, vm0, $0xb8;
	[tilespmem:$0x10100] =	vst v63  }
0xde: {  	s28 =	simm.s32 $0xB100  }
0xdf: {  	[tilespmem:s28], [sflag:$0x2] =	stream.indirect_vreg.gather [hbm4b:s2+s4], $0x80, v3, vm0, $0xb8;
	[tilespmem:$0x10100] =	vst v63  }
0xe0: {  	s29 =	simm.s32 $0xB900  }
0xe1: {  	[tilespmem:s29], [sflag:$0x2] =	stream.indirect_vreg.gather [hbm4b:s6+s4], $0x80, v3, vm0, $0xb8;
	[tilespmem:$0x10100] =	vst v63  }
0xe2: {  	_ =	swait.ge [sflag:s21], $0x4000  }
0xe3: {  	[sflag:s21] =	ssyncset.done $0x0  }
0xe4: {  	[sflag:s21] =	ssyncadd.s32 $0xFFFFC000  }
0xe5: {  	_ =	swait.ge [sflag:s22], $0x4000  }
0xe6: {  	[sflag:s22] =	ssyncset.done $0x0  }
0xe7: {  	s23 =	rddreg [dreg:$0x9];
	[sflag:s22] =	ssyncadd.s32 $0xFFFFC000  }
0xe8: {  	[hbm4b:s23+s4] =	stream.linear.scatter [tilespmem:s25], [sflag:$0x5], $0x4000, $0x38;
	[tilespmem:$0x10100] =	vst v63  }
0xe9: {  	_ =	swait.ge [sflag:s8], $0x4000  }
0xea: {  	[sflag:s8] =	ssyncset.done $0x0  }
0xeb: {  	s23 =	rddreg [dreg:$0xa];
	[sflag:s8] =	ssyncadd.s32 $0xFFFFC000  }
0xec: {  	[hbm4b:s23+s4] =	stream.linear.scatter [tilespmem:s10], [sflag:$0x5], $0x4000, $0x38;
	[tilespmem:$0x10100] =	vst v63  }
0xed: {  	_ =	swait.ge [sflag:s8], $0x4000  }
0xee: {  	[sflag:s8] =	ssyncset.done $0x0  }
0xef: {  	[sflag:s8] =	ssyncadd.s32 $0xFFFFC000  }
0xf0: {  	v3 =	vld [tilespmem:$0x60];
	_ =	sdelay $0x4  }
0xf1: {  	v44 =	vshll.u32 v3, $0x2  }
0xf2: {  	v3 =	vand.u32 $0x7, v3;
	v4 =	vand.u32 $0xFFFFFFE0, v44  }
0xf3: {  	v3 =	vor.u32 v3, v4  }
0xf4: {  	v4 =	vperm.xlane v3, v0;
	_ =	sdelay $0x1  }
0xf5: {  	v4 =	vadd.s32 v1, v4;
	_ =	sdelay $0x1  }
0xf6: {  	v3 =	vperm.xlane v3, v2;
	_ =	sdelay $0x1  }
0xf7: {  	v3 =	vadd.s32 v1, v3  }
0xf8: {  	[tilespmem:s25], [sflag:$0x3] =	stream.indirect_vreg.gather [hbm4b:s1+s4], $0x80, v4, vm0, $0xb8;
	[tilespmem:$0x10100] =	vst v63  }
0xf9: {  	s23 =	simm.s32 $0x4900  }
0xfa: {  	[tilespmem:s23], [sflag:$0x3] =	stream.indirect_vreg.gather [hbm4b:s5+s4], $0x80, v4, vm0, $0xb8;
	[tilespmem:$0x10100] =	vst v63  }
0xfb: {  	s31 =	simm.s32 $0x5100  }
0xfc: {  	[tilespmem:s31], [sflag:$0x3] =	stream.indirect_vreg.gather [hbm4b:s1+s4], $0x80, v3, vm0, $0xb8;
	[tilespmem:$0x10100] =	vst v63  }
0xfd: {  	s13 =	simm.s32 $0x5900  }
0xfe: {  	[tilespmem:s13], [sflag:$0x3] =	stream.indirect_vreg.gather [hbm4b:s5+s4], $0x80, v3, vm0, $0xb8;
	[tilespmem:$0x10100] =	vst v63  }
0xff: {  	v3 =	vld [tilespmem:$0x70];
	_ =	sdelay $0x4  }
0x100: {  	v45 =	vshll.u32 v3, $0x2  }
0x101: {  	v3 =	vand.u32 $0x7, v3;
	v4 =	vand.u32 $0xFFFFFFE0, v45  }
0x102: {  	v3 =	vor.u32 v3, v4  }
0x103: {  	v4 =	vperm.xlane v3, v0;
	_ =	sdelay $0x1  }
0x104: {  	v4 =	vadd.s32 v1, v4;
	_ =	sdelay $0x1  }
0x105: {  	v3 =	vperm.xlane v3, v2;
	_ =	sdelay $0x1  }
0x106: {  	s23 =	simm.s32 $0x6100;
	v3 =	vadd.s32 v1, v3  }
0x107: {  	[tilespmem:s23], [sflag:$0x3] =	stream.indirect_vreg.gather [hbm4b:s1+s4], $0x80, v4, vm0, $0xb8;
	[tilespmem:$0x10100] =	vst v63  }
0x108: {  	s23 =	simm.s32 $0x6900  }
0x109: {  	[tilespmem:s23], [sflag:$0x3] =	stream.indirect_vreg.gather [hbm4b:s5+s4], $0x80, v4, vm0, $0xb8;
	[tilespmem:$0x10100] =	vst v63  }
0x10a: {  	s23 =	simm.s32 $0x7100  }
0x10b: {  	[tilespmem:s23], [sflag:$0x3] =	stream.indirect_vreg.gather [hbm4b:s1+s4], $0x80, v3, vm0, $0xb8;
	[tilespmem:$0x10100] =	vst v63  }
0x10c: {  	s14 =	simm.s32 $0x7900  }
0x10d: {  	[tilespmem:s14], [sflag:$0x3] =	stream.indirect_vreg.gather [hbm4b:s5+s4], $0x80, v3, vm0, $0xb8;
	[tilespmem:$0x10100] =	vst v63  }
0x10e: {  	v3 =	vld [tilespmem:$0x60];
	_ =	sdelay $0x4  }
0x10f: {  	v46 =	vshll.u32 v3, $0x2  }
0x110: {  	v3 =	vand.u32 $0x7, v3;
	v4 =	vand.u32 $0xFFFFFFE0, v46  }
0x111: {  	v3 =	vor.u32 v3, v4  }
0x112: {  	v4 =	vperm.xlane v3, v0;
	_ =	sdelay $0x1  }
0x113: {  	v4 =	vadd.s32 v1, v4;
	_ =	sdelay $0x1  }
0x114: {  	v3 =	vperm.xlane v3, v2;
	_ =	sdelay $0x1  }
0x115: {  	v3 =	vadd.s32 v1, v3  }
0x116: {  	[tilespmem:s10], [sflag:$0x4] =	stream.indirect_vreg.gather [hbm4b:s2+s4], $0x80, v4, vm0, $0xb8;
	[tilespmem:$0x10100] =	vst v63  }
0x117: {  	s23 =	simm.s32 $0xC900  }
0x118: {  	[tilespmem:s23], [sflag:$0x4] =	stream.indirect_vreg.gather [hbm4b:s6+s4], $0x80, v4, vm0, $0xb8;
	[tilespmem:$0x10100] =	vst v63  }
0x119: {  	s23 =	simm.s32 $0xD100  }
0x11a: {  	[tilespmem:s23], [sflag:$0x4] =	stream.indirect_vreg.gather [hbm4b:s2+s4], $0x80, v3, vm0, $0xb8;
	[tilespmem:$0x10100] =	vst v63  }
0x11b: {  	s11 =	simm.s32 $0xD900  }
0x11c: {  	[tilespmem:s11], [sflag:$0x4] =	stream.indirect_vreg.gather [hbm4b:s6+s4], $0x80, v3, vm0, $0xb8;
	[tilespmem:$0x10100] =	vst v63  }
0x11d: {  	v3 =	vld [tilespmem:$0x70];
	_ =	sdelay $0x4  }
0x11e: {  	v47 =	vshll.u32 v3, $0x2  }
0x11f: {  	v3 =	vand.u32 $0x7, v3;
	v4 =	vand.u32 $0xFFFFFFE0, v47  }
0x120: {  	v3 =	vor.u32 v3, v4  }
0x121: {  	v4 =	vperm.xlane v3, v0;
	_ =	sdelay $0x1  }
0x122: {  	v4 =	vadd.s32 v1, v4;
	_ =	sdelay $0x1  }
0x123: {  	v3 =	vperm.xlane v3, v2;
	_ =	sdelay $0x1  }
0x124: {  	s23 =	simm.s32 $0xE100;
	v3 =	vadd.s32 v1, v3  }
0x125: {  	[tilespmem:s23], [sflag:$0x4] =	stream.indirect_vreg.gather [hbm4b:s2+s4], $0x80, v4, vm0, $0xb8;
	[tilespmem:$0x10100] =	vst v63  }
0x126: {  	s23 =	simm.s32 $0xE900  }
0x127: {  	[tilespmem:s23], [sflag:$0x4] =	stream.indirect_vreg.gather [hbm4b:s6+s4], $0x80, v4, vm0, $0xb8;
	[tilespmem:$0x10100] =	vst v63  }
0x128: {  	s23 =	simm.s32 $0xF100  }
0x129: {  	[tilespmem:s23], [sflag:$0x4] =	stream.indirect_vreg.gather [hbm4b:s2+s4], $0x80, v3, vm0, $0xb8;
	[tilespmem:$0x10100] =	vst v63  }
0x12a: {  	s12 =	simm.s32 $0xF900  }
0x12b: {  	[tilespmem:s12], [sflag:$0x4] =	stream.indirect_vreg.gather [hbm4b:s6+s4], $0x80, v3, vm0, $0xb8;
	[tilespmem:$0x10100] =	vst v63  }
0x12c: {  	_ =	swait.ge [sflag:s19], $0x4000  }
0x12d: {  	[sflag:s19] =	ssyncset.done $0x0  }
0x12e: {  	[sflag:s19] =	ssyncadd.s32 $0xFFFFC000  }
0x12f: {  	_ =	swait.ge [sflag:s20], $0x4000  }
0x130: {  	[sflag:s20] =	ssyncset.done $0x0  }
0x131: {  	s12 =	rddreg [dreg:$0xb];
	[sflag:s20] =	ssyncadd.s32 $0xFFFFC000  }
0x132: {  	[hbm4b:s12+s4] =	stream.linear.scatter [tilespmem:s30], [sflag:$0x5], $0x4000, $0x38;
	[tilespmem:$0x10100] =	vst v63  }
0x133: {  	_ =	swait.ge [sflag:s8], $0x4000  }
0x134: {  	[sflag:s8] =	ssyncset.done $0x0  }
0x135: {  	s11 =	rddreg [dreg:$0xc];
	[sflag:s8] =	ssyncadd.s32 $0xFFFFC000  }
0x136: {  	[hbm4b:s11+s4] =	stream.linear.scatter [tilespmem:s17], [sflag:$0x5], $0x4000, $0x38;
	[tilespmem:$0x10100] =	vst v63  }
0x137: {  	_ =	swait.ge [sflag:s8], $0x4000  }
0x138: {  	[sflag:s8] =	ssyncset.done $0x0  }
0x139: {  	[sflag:s8] =	ssyncadd.s32 $0xFFFFC000  }
0x13a: {  	v3 =	vld [tilespmem:$0x80];
	_ =	sdelay $0x4  }
0x13b: {  	v48 =	vshll.u32 v3, $0x2  }
0x13c: {  	v3 =	vand.u32 $0x7, v3;
	v4 =	vand.u32 $0xFFFFFFE0, v48  }
0x13d: {  	v3 =	vor.u32 v3, v4  }
0x13e: {  	v4 =	vperm.xlane v3, v0;
	_ =	sdelay $0x1  }
0x13f: {  	v4 =	vadd.s32 v1, v4;
	_ =	sdelay $0x1  }
0x140: {  	v3 =	vperm.xlane v3, v2;
	_ =	sdelay $0x1  }
0x141: {  	v3 =	vadd.s32 v1, v3  }
0x142: {  	[tilespmem:s30], [sflag:$0x1] =	stream.indirect_vreg.gather [hbm4b:s1+s4], $0x80, v4, vm0, $0xb8;
	[tilespmem:$0x10100] =	vst v63  }
0x143: {  	_ = 	snop  }
0x144: {  	[tilespmem:s0], [sflag:$0x1] =	stream.indirect_vreg.gather [hbm4b:s5+s4], $0x80, v4, vm0, $0xb8;
	[tilespmem:$0x10100] =	vst v63  }
0x145: {  	_ = 	snop  }
0x146: {  	[tilespmem:s3], [sflag:$0x1] =	stream.indirect_vreg.gather [hbm4b:s1+s4], $0x80, v3, vm0, $0xb8;
	[tilespmem:$0x10100] =	vst v63  }
0x147: {  	s12 =	simm.s32 $0x1900  }
0x148: {  	[tilespmem:s12], [sflag:$0x1] =	stream.indirect_vreg.gather [hbm4b:s5+s4], $0x80, v3, vm0, $0xb8;
	[tilespmem:$0x10100] =	vst v63  }
0x149: {  	v3 =	vld [tilespmem:$0x90];
	_ =	sdelay $0x4  }
0x14a: {  	v49 =	vshll.u32 v3, $0x2  }
0x14b: {  	v3 =	vand.u32 $0x7, v3;
	v4 =	vand.u32 $0xFFFFFFE0, v49  }
0x14c: {  	v3 =	vor.u32 v3, v4  }
0x14d: {  	v4 =	vperm.xlane v3, v0;
	_ =	sdelay $0x1  }
0x14e: {  	v4 =	vadd.s32 v1, v4;
	_ =	sdelay $0x1  }
0x14f: {  	v3 =	vperm.xlane v3, v2;
	_ =	sdelay $0x1  }
0x150: {  	v3 =	vadd.s32 v1, v3  }
0x151: {  	[tilespmem:s9], [sflag:$0x1] =	stream.indirect_vreg.gather [hbm4b:s1+s4], $0x80, v4, vm0, $0xb8;
	[tilespmem:$0x10100] =	vst v63  }
0x152: {  	_ = 	snop  }
0x153: {  	[tilespmem:s15], [sflag:$0x1] =	stream.indirect_vreg.gather [hbm4b:s5+s4], $0x80, v4, vm0, $0xb8;
	[tilespmem:$0x10100] =	vst v63  }
0x154: {  	s23 =	simm.s32 $0x3100  }
0x155: {  	[tilespmem:s23], [sflag:$0x1] =	stream.indirect_vreg.gather [hbm4b:s1+s4], $0x80, v3, vm0, $0xb8;
	[tilespmem:$0x10100] =	vst v63  }
0x156: {  	s15 =	simm.s32 $0x3900  }
0x157: {  	[tilespmem:s15], [sflag:$0x1] =	stream.indirect_vreg.gather [hbm4b:s5+s4], $0x80, v3, vm0, $0xb8;
	[tilespmem:$0x10100] =	vst v63  }
0x158: {  	v3 =	vld [tilespmem:$0x80];
	_ =	sdelay $0x4  }
0x159: {  	v50 =	vshll.u32 v3, $0x2  }
0x15a: {  	v3 =	vand.u32 $0x7, v3;
	v4 =	vand.u32 $0xFFFFFFE0, v50  }
0x15b: {  	v3 =	vor.u32 v3, v4  }
0x15c: {  	v4 =	vperm.xlane v3, v0;
	_ =	sdelay $0x1  }
0x15d: {  	v4 =	vadd.s32 v1, v4;
	_ =	sdelay $0x1  }
0x15e: {  	v3 =	vperm.xlane v3, v2;
	_ =	sdelay $0x1  }
0x15f: {  	v3 =	vadd.s32 v1, v3  }
0x160: {  	[tilespmem:s17], [sflag:$0x2] =	stream.indirect_vreg.gather [hbm4b:s2+s4], $0x80, v4, vm0, $0xb8;
	[tilespmem:$0x10100] =	vst v63  }
0x161: {  	_ = 	snop  }
0x162: {  	[tilespmem:s16], [sflag:$0x2] =	stream.indirect_vreg.gather [hbm4b:s6+s4], $0x80, v4, vm0, $0xb8;
	[tilespmem:$0x10100] =	vst v63  }
0x163: {  	_ = 	snop  }
0x164: {  	[tilespmem:s18], [sflag:$0x2] =	stream.indirect_vreg.gather [hbm4b:s2+s4], $0x80, v3, vm0, $0xb8;
	[tilespmem:$0x10100] =	vst v63  }
0x165: {  	s23 =	simm.s32 $0x9900  }
0x166: {  	[tilespmem:s23], [sflag:$0x2] =	stream.indirect_vreg.gather [hbm4b:s6+s4], $0x80, v3, vm0, $0xb8;
	[tilespmem:$0x10100] =	vst v63  }
0x167: {  	v3 =	vld [tilespmem:$0x90];
	_ =	sdelay $0x4  }
0x168: {  	v51 =	vshll.u32 v3, $0x2  }
0x169: {  	v3 =	vand.u32 $0x7, v3;
	v4 =	vand.u32 $0xFFFFFFE0, v51  }
0x16a: {  	v3 =	vor.u32 v3, v4  }
0x16b: {  	v4 =	vperm.xlane v3, v0;
	_ =	sdelay $0x1  }
0x16c: {  	v4 =	vadd.s32 v1, v4;
	_ =	sdelay $0x1  }
0x16d: {  	v3 =	vperm.xlane v3, v2;
	_ =	sdelay $0x1  }
0x16e: {  	v3 =	vadd.s32 v1, v3  }
0x16f: {  	[tilespmem:s24], [sflag:$0x2] =	stream.indirect_vreg.gather [hbm4b:s2+s4], $0x80, v4, vm0, $0xb8;
	[tilespmem:$0x10100] =	vst v63  }
0x170: {  	_ = 	snop  }
0x171: {  	[tilespmem:s26], [sflag:$0x2] =	stream.indirect_vreg.gather [hbm4b:s6+s4], $0x80, v4, vm0, $0xb8;
	[tilespmem:$0x10100] =	vst v63  }
0x172: {  	_ = 	snop  }
0x173: {  	[tilespmem:s28], [sflag:$0x2] =	stream.indirect_vreg.gather [hbm4b:s2+s4], $0x80, v3, vm0, $0xb8;
	[tilespmem:$0x10100] =	vst v63  }
0x174: {  	_ = 	snop  }
0x175: {  	[tilespmem:s29], [sflag:$0x2] =	stream.indirect_vreg.gather [hbm4b:s6+s4], $0x80, v3, vm0, $0xb8;
	[tilespmem:$0x10100] =	vst v63  }
0x176: {  	_ =	swait.ge [sflag:s21], $0x4000  }
0x177: {  	[sflag:s21] =	ssyncset.done $0x0  }
0x178: {  	[sflag:s21] =	ssyncadd.s32 $0xFFFFC000  }
0x179: {  	_ =	swait.ge [sflag:s22], $0x4000  }
0x17a: {  	[sflag:s22] =	ssyncset.done $0x0  }
0x17b: {  	s29 =	rddreg [dreg:$0xd];
	[sflag:s22] =	ssyncadd.s32 $0xFFFFC000  }
0x17c: {  	[hbm4b:s29+s4] =	stream.linear.scatter [tilespmem:s25], [sflag:$0x5], $0x4000, $0x38;
	[tilespmem:$0x10100] =	vst v63  }
0x17d: {  	_ =	swait.ge [sflag:s8], $0x4000  }
0x17e: {  	[sflag:s8] =	ssyncset.done $0x0  }
0x17f: {  	s11 =	rddreg [dreg:$0xe];
	[sflag:s8] =	ssyncadd.s32 $0xFFFFC000  }
0x180: {  	[hbm4b:s11+s4] =	stream.linear.scatter [tilespmem:s10], [sflag:$0x5], $0x4000, $0x38;
	[tilespmem:$0x10100] =	vst v63  }
0x181: {  	_ =	swait.ge [sflag:s8], $0x4000  }
0x182: {  	[sflag:s8] =	ssyncset.done $0x0  }
0x183: {  	[sflag:s8] =	ssyncadd.s32 $0xFFFFC000  }
0x184: {  	v3 =	vld [tilespmem:$0xA0];
	_ =	sdelay $0x4  }
0x185: {  	v52 =	vshll.u32 v3, $0x2  }
0x186: {  	v3 =	vand.u32 $0x7, v3;
	v4 =	vand.u32 $0xFFFFFFE0, v52  }
0x187: {  	v3 =	vor.u32 v3, v4  }
0x188: {  	v4 =	vperm.xlane v3, v0;
	_ =	sdelay $0x1  }
0x189: {  	v4 =	vadd.s32 v1, v4;
	_ =	sdelay $0x1  }
0x18a: {  	v3 =	vperm.xlane v3, v2;
	_ =	sdelay $0x1  }
0x18b: {  	v3 =	vadd.s32 v1, v3  }
0x18c: {  	[tilespmem:s25], [sflag:$0x3] =	stream.indirect_vreg.gather [hbm4b:s1+s4], $0x80, v4, vm0, $0xb8;
	[tilespmem:$0x10100] =	vst v63  }
0x18d: {  	s29 =	simm.s32 $0x4900  }
0x18e: {  	[tilespmem:s29], [sflag:$0x3] =	stream.indirect_vreg.gather [hbm4b:s5+s4], $0x80, v4, vm0, $0xb8;
	[tilespmem:$0x10100] =	vst v63  }
0x18f: {  	s31 =	simm.s32 $0x5100  }
0x190: {  	[tilespmem:s31], [sflag:$0x3] =	stream.indirect_vreg.gather [hbm4b:s1+s4], $0x80, v3, vm0, $0xb8;
	[tilespmem:$0x10100] =	vst v63  }
0x191: {  	s31 =	simm.s32 $0x5900  }
0x192: {  	[tilespmem:s31], [sflag:$0x3] =	stream.indirect_vreg.gather [hbm4b:s5+s4], $0x80, v3, vm0, $0xb8;
	[tilespmem:$0x10100] =	vst v63  }
0x193: {  	v3 =	vld [tilespmem:$0xB0];
	_ =	sdelay $0x4  }
0x194: {  	v53 =	vshll.u32 v3, $0x2  }
0x195: {  	v3 =	vand.u32 $0x7, v3;
	v4 =	vand.u32 $0xFFFFFFE0, v53  }
0x196: {  	v3 =	vor.u32 v3, v4  }
0x197: {  	v4 =	vperm.xlane v3, v0;
	_ =	sdelay $0x1  }
0x198: {  	v4 =	vadd.s32 v1, v4;
	_ =	sdelay $0x1  }
0x199: {  	v3 =	vperm.xlane v3, v2;
	_ =	sdelay $0x1  }
0x19a: {  	s13 =	simm.s32 $0x6100;
	v3 =	vadd.s32 v1, v3  }
0x19b: {  	[tilespmem:s13], [sflag:$0x3] =	stream.indirect_vreg.gather [hbm4b:s1+s4], $0x80, v4, vm0, $0xb8;
	[tilespmem:$0x10100] =	vst v63  }
0x19c: {  	s11 =	simm.s32 $0x6900  }
0x19d: {  	[tilespmem:s11], [sflag:$0x3] =	stream.indirect_vreg.gather [hbm4b:s5+s4], $0x80, v4, vm0, $0xb8;
	[tilespmem:$0x10100] =	vst v63  }
0x19e: {  	s23 =	simm.s32 $0x7100  }
0x19f: {  	[tilespmem:s23], [sflag:$0x3] =	stream.indirect_vreg.gather [hbm4b:s1+s4], $0x80, v3, vm0, $0xb8;
	[tilespmem:$0x10100] =	vst v63  }
0x1a0: {  	s23 =	simm.s32 $0x7900  }
0x1a1: {  	[tilespmem:s23], [sflag:$0x3] =	stream.indirect_vreg.gather [hbm4b:s5+s4], $0x80, v3, vm0, $0xb8;
	[tilespmem:$0x10100] =	vst v63  }
0x1a2: {  	v3 =	vld [tilespmem:$0xA0];
	_ =	sdelay $0x4  }
0x1a3: {  	v54 =	vshll.u32 v3, $0x2  }
0x1a4: {  	v3 =	vand.u32 $0x7, v3;
	v4 =	vand.u32 $0xFFFFFFE0, v54  }
0x1a5: {  	v3 =	vor.u32 v3, v4  }
0x1a6: {  	v4 =	vperm.xlane v3, v0;
	_ =	sdelay $0x1  }
0x1a7: {  	v4 =	vadd.s32 v1, v4;
	_ =	sdelay $0x1  }
0x1a8: {  	v3 =	vperm.xlane v3, v2;
	_ =	sdelay $0x1  }
0x1a9: {  	v3 =	vadd.s32 v1, v3  }
0x1aa: {  	[tilespmem:s10], [sflag:$0x4] =	stream.indirect_vreg.gather [hbm4b:s2+s4], $0x80, v4, vm0, $0xb8;
	[tilespmem:$0x10100] =	vst v63  }
0x1ab: {  	s14 =	simm.s32 $0xC900  }
0x1ac: {  	[tilespmem:s14], [sflag:$0x4] =	stream.indirect_vreg.gather [hbm4b:s6+s4], $0x80, v4, vm0, $0xb8;
	[tilespmem:$0x10100] =	vst v63  }
0x1ad: {  	s23 =	simm.s32 $0xD100  }
0x1ae: {  	[tilespmem:s23], [sflag:$0x4] =	stream.indirect_vreg.gather [hbm4b:s2+s4], $0x80, v3, vm0, $0xb8;
	[tilespmem:$0x10100] =	vst v63  }
0x1af: {  	s23 =	simm.s32 $0xD900  }
0x1b0: {  	[tilespmem:s23], [sflag:$0x4] =	stream.indirect_vreg.gather [hbm4b:s6+s4], $0x80, v3, vm0, $0xb8;
	[tilespmem:$0x10100] =	vst v63  }
0x1b1: {  	v3 =	vld [tilespmem:$0xB0];
	_ =	sdelay $0x4  }
0x1b2: {  	v55 =	vshll.u32 v3, $0x2  }
0x1b3: {  	v3 =	vand.u32 $0x7, v3;
	v4 =	vand.u32 $0xFFFFFFE0, v55  }
0x1b4: {  	v3 =	vor.u32 v3, v4  }
0x1b5: {  	v4 =	vperm.xlane v3, v0;
	_ =	sdelay $0x1  }
0x1b6: {  	v4 =	vadd.s32 v1, v4;
	_ =	sdelay $0x1  }
0x1b7: {  	v3 =	vperm.xlane v3, v2;
	_ =	sdelay $0x1  }
0x1b8: {  	s23 =	simm.s32 $0xE100;
	v3 =	vadd.s32 v1, v3  }
0x1b9: {  	[tilespmem:s23], [sflag:$0x4] =	stream.indirect_vreg.gather [hbm4b:s2+s4], $0x80, v4, vm0, $0xb8;
	[tilespmem:$0x10100] =	vst v63  }
0x1ba: {  	s23 =	simm.s32 $0xE900  }
0x1bb: {  	[tilespmem:s23], [sflag:$0x4] =	stream.indirect_vreg.gather [hbm4b:s6+s4], $0x80, v4, vm0, $0xb8;
	[tilespmem:$0x10100] =	vst v63  }
0x1bc: {  	s23 =	simm.s32 $0xF100  }
0x1bd: {  	[tilespmem:s23], [sflag:$0x4] =	stream.indirect_vreg.gather [hbm4b:s2+s4], $0x80, v3, vm0, $0xb8;
	[tilespmem:$0x10100] =	vst v63  }
0x1be: {  	s23 =	simm.s32 $0xF900  }
0x1bf: {  	[tilespmem:s23], [sflag:$0x4] =	stream.indirect_vreg.gather [hbm4b:s6+s4], $0x80, v3, vm0, $0xb8;
	[tilespmem:$0x10100] =	vst v63  }
0x1c0: {  	_ =	swait.ge [sflag:s19], $0x4000  }
0x1c1: {  	[sflag:s19] =	ssyncset.done $0x0  }
0x1c2: {  	[sflag:s19] =	ssyncadd.s32 $0xFFFFC000  }
0x1c3: {  	_ =	swait.ge [sflag:s20], $0x4000  }
0x1c4: {  	[sflag:s20] =	ssyncset.done $0x0  }
0x1c5: {  	s23 =	rddreg [dreg:$0xf];
	[sflag:s20] =	ssyncadd.s32 $0xFFFFC000  }
0x1c6: {  	[hbm4b:s23+s4] =	stream.linear.scatter [tilespmem:s30], [sflag:$0x5], $0x4000, $0x38;
	[tilespmem:$0x10100] =	vst v63  }
0x1c7: {  	_ =	swait.ge [sflag:s8], $0x4000  }
0x1c8: {  	[sflag:s8] =	ssyncset.done $0x0  }
0x1c9: {  	s23 =	rddreg [dreg:$0x10];
	[sflag:s8] =	ssyncadd.s32 $0xFFFFC000  }
0x1ca: {  	[hbm4b:s23+s4] =	stream.linear.scatter [tilespmem:s17], [sflag:$0x5], $0x4000, $0x38;
	[tilespmem:$0x10100] =	vst v63  }
0x1cb: {  	_ =	swait.ge [sflag:s8], $0x4000  }
0x1cc: {  	[sflag:s8] =	ssyncset.done $0x0  }
0x1cd: {  	[sflag:s8] =	ssyncadd.s32 $0xFFFFC000  }
0x1ce: {  	v3 =	vld [tilespmem:$0xC0];
	_ =	sdelay $0x4  }
0x1cf: {  	v56 =	vshll.u32 v3, $0x2  }
0x1d0: {  	v3 =	vand.u32 $0x7, v3;
	v4 =	vand.u32 $0xFFFFFFE0, v56  }
0x1d1: {  	v3 =	vor.u32 v3, v4  }
0x1d2: {  	v4 =	vperm.xlane v3, v0;
	_ =	sdelay $0x1  }
0x1d3: {  	v4 =	vadd.s32 v1, v4;
	_ =	sdelay $0x1  }
0x1d4: {  	v3 =	vperm.xlane v3, v2;
	_ =	sdelay $0x1  }
0x1d5: {  	v3 =	vadd.s32 v1, v3  }
0x1d6: {  	[tilespmem:s30], [sflag:$0x1] =	stream.indirect_vreg.gather [hbm4b:s1+s4], $0x80, v4, vm0, $0xb8;
	[tilespmem:$0x10100] =	vst v63  }
0x1d7: {  	s0 =	simm.s32 $0x900  }
0x1d8: {  	[tilespmem:s0], [sflag:$0x1] =	stream.indirect_vreg.gather [hbm4b:s5+s4], $0x80, v4, vm0, $0xb8;
	[tilespmem:$0x10100] =	vst v63  }
0x1d9: {  	s3 =	simm.s32 $0x1100  }
0x1da: {  	[tilespmem:s3], [sflag:$0x1] =	stream.indirect_vreg.gather [hbm4b:s1+s4], $0x80, v3, vm0, $0xb8;
	[tilespmem:$0x10100] =	vst v63  }
0x1db: {  	s3 =	simm.s32 $0x1900  }
0x1dc: {  	[tilespmem:s3], [sflag:$0x1] =	stream.indirect_vreg.gather [hbm4b:s5+s4], $0x80, v3, vm0, $0xb8;
	[tilespmem:$0x10100] =	vst v63  }
0x1dd: {  	v3 =	vld [tilespmem:$0xD0];
	_ =	sdelay $0x4  }
0x1de: {  	v57 =	vshll.u32 v3, $0x2  }
0x1df: {  	v3 =	vand.u32 $0x7, v3;
	v4 =	vand.u32 $0xFFFFFFE0, v57  }
0x1e0: {  	v3 =	vor.u32 v3, v4  }
0x1e1: {  	v4 =	vperm.xlane v3, v0;
	_ =	sdelay $0x1  }
0x1e2: {  	v4 =	vadd.s32 v1, v4;
	_ =	sdelay $0x1  }
0x1e3: {  	v3 =	vperm.xlane v3, v2;
	_ =	sdelay $0x1  }
0x1e4: {  	s9 =	simm.s32 $0x2100;
	v3 =	vadd.s32 v1, v3  }
0x1e5: {  	[tilespmem:s9], [sflag:$0x1] =	stream.indirect_vreg.gather [hbm4b:s1+s4], $0x80, v4, vm0, $0xb8;
	[tilespmem:$0x10100] =	vst v63  }
0x1e6: {  	s12 =	simm.s32 $0x2900  }
0x1e7: {  	[tilespmem:s12], [sflag:$0x1] =	stream.indirect_vreg.gather [hbm4b:s5+s4], $0x80, v4, vm0, $0xb8;
	[tilespmem:$0x10100] =	vst v63  }
0x1e8: {  	s9 =	simm.s32 $0x3100  }
0x1e9: {  	[tilespmem:s9], [sflag:$0x1] =	stream.indirect_vreg.gather [hbm4b:s1+s4], $0x80, v3, vm0, $0xb8;
	[tilespmem:$0x10100] =	vst v63  }
0x1ea: {  	s12 =	simm.s32 $0x3900  }
0x1eb: {  	[tilespmem:s12], [sflag:$0x1] =	stream.indirect_vreg.gather [hbm4b:s5+s4], $0x80, v3, vm0, $0xb8;
	[tilespmem:$0x10100] =	vst v63  }
0x1ec: {  	v3 =	vld [tilespmem:$0xC0];
	_ =	sdelay $0x4  }
0x1ed: {  	v58 =	vshll.u32 v3, $0x2  }
0x1ee: {  	v3 =	vand.u32 $0x7, v3;
	v4 =	vand.u32 $0xFFFFFFE0, v58  }
0x1ef: {  	v3 =	vor.u32 v3, v4  }
0x1f0: {  	v4 =	vperm.xlane v3, v0;
	_ =	sdelay $0x1  }
0x1f1: {  	v4 =	vadd.s32 v1, v4;
	_ =	sdelay $0x1  }
0x1f2: {  	v3 =	vperm.xlane v3, v2;
	_ =	sdelay $0x1  }
0x1f3: {  	v3 =	vadd.s32 v1, v3  }
0x1f4: {  	[tilespmem:s17], [sflag:$0x2] =	stream.indirect_vreg.gather [hbm4b:s2+s4], $0x80, v4, vm0, $0xb8;
	[tilespmem:$0x10100] =	vst v63  }
0x1f5: {  	s15 =	simm.s32 $0x8900  }
0x1f6: {  	[tilespmem:s15], [sflag:$0x2] =	stream.indirect_vreg.gather [hbm4b:s6+s4], $0x80, v4, vm0, $0xb8;
	[tilespmem:$0x10100] =	vst v63  }
0x1f7: {  	s16 =	simm.s32 $0x9100  }
0x1f8: {  	[tilespmem:s16], [sflag:$0x2] =	stream.indirect_vreg.gather [hbm4b:s2+s4], $0x80, v3, vm0, $0xb8;
	[tilespmem:$0x10100] =	vst v63  }
0x1f9: {  	s23 =	simm.s32 $0x9900  }
0x1fa: {  	[tilespmem:s23], [sflag:$0x2] =	stream.indirect_vreg.gather [hbm4b:s6+s4], $0x80, v3, vm0, $0xb8;
	[tilespmem:$0x10100] =	vst v63  }
0x1fb: {  	v3 =	vld [tilespmem:$0xD0];
	_ =	sdelay $0x4  }
0x1fc: {  	v59 =	vshll.u32 v3, $0x2  }
0x1fd: {  	v3 =	vand.u32 $0x7, v3;
	v4 =	vand.u32 $0xFFFFFFE0, v59  }
0x1fe: {  	v3 =	vor.u32 v3, v4  }
0x1ff: {  	v4 =	vperm.xlane v3, v0;
	_ =	sdelay $0x1  }
0x200: {  	v4 =	vadd.s32 v1, v4;
	_ =	sdelay $0x1  }
0x201: {  	v3 =	vperm.xlane v3, v2;
	_ =	sdelay $0x1  }
0x202: {  	s18 =	simm.s32 $0xA100;
	v3 =	vadd.s32 v1, v3  }
0x203: {  	[tilespmem:s18], [sflag:$0x2] =	stream.indirect_vreg.gather [hbm4b:s2+s4], $0x80, v4, vm0, $0xb8;
	[tilespmem:$0x10100] =	vst v63  }
0x204: {  	s24 =	simm.s32 $0xA900  }
0x205: {  	[tilespmem:s24], [sflag:$0x2] =	stream.indirect_vreg.gather [hbm4b:s6+s4], $0x80, v4, vm0, $0xb8;
	[tilespmem:$0x10100] =	vst v63  }
0x206: {  	s26 =	simm.s32 $0xB100  }
0x207: {  	[tilespmem:s26], [sflag:$0x2] =	stream.indirect_vreg.gather [hbm4b:s2+s4], $0x80, v3, vm0, $0xb8;
	[tilespmem:$0x10100] =	vst v63  }
0x208: {  	s28 =	simm.s32 $0xB900  }
0x209: {  	[tilespmem:s28], [sflag:$0x2] =	stream.indirect_vreg.gather [hbm4b:s6+s4], $0x80, v3, vm0, $0xb8;
	[tilespmem:$0x10100] =	vst v63  }
0x20a: {  	_ =	swait.ge [sflag:s21], $0x4000  }
0x20b: {  	[sflag:s21] =	ssyncset.done $0x0  }
0x20c: {  	[sflag:s21] =	ssyncadd.s32 $0xFFFFC000  }
0x20d: {  	_ =	swait.ge [sflag:s22], $0x4000  }
0x20e: {  	[sflag:s22] =	ssyncset.done $0x0  }
0x20f: {  	s0 =	rddreg [dreg:$0x11];
	[sflag:s22] =	ssyncadd.s32 $0xFFFFC000  }
0x210: {  	[hbm4b:s0+s4] =	stream.linear.scatter [tilespmem:s25], [sflag:$0x5], $0x4000, $0x38;
	[tilespmem:$0x10100] =	vst v63  }
0x211: {  	_ =	swait.ge [sflag:s8], $0x4000  }
0x212: {  	[sflag:s8] =	ssyncset.done $0x0  }
0x213: {  	s3 =	rddreg [dreg:$0x12];
	[sflag:s8] =	ssyncadd.s32 $0xFFFFC000  }
0x214: {  	[hbm4b:s3+s4] =	stream.linear.scatter [tilespmem:s10], [sflag:$0x5], $0x4000, $0x38;
	[tilespmem:$0x10100] =	vst v63  }
0x215: {  	_ =	swait.ge [sflag:s8], $0x4000  }
0x216: {  	[sflag:s8] =	ssyncset.done $0x0  }
0x217: {  	[sflag:s8] =	ssyncadd.s32 $0xFFFFC000  }
0x218: {  	v3 =	vld [tilespmem:$0xE0];
	_ =	sdelay $0x4  }
0x219: {  	v60 =	vshll.u32 v3, $0x2  }
0x21a: {  	v3 =	vand.u32 $0x7, v3;
	v4 =	vand.u32 $0xFFFFFFE0, v60  }
0x21b: {  	v3 =	vor.u32 v3, v4  }
0x21c: {  	v4 =	vperm.xlane v3, v0;
	_ =	sdelay $0x1  }
0x21d: {  	v4 =	vadd.s32 v1, v4;
	_ =	sdelay $0x1  }
0x21e: {  	v3 =	vperm.xlane v3, v2;
	_ =	sdelay $0x1  }
0x21f: {  	v3 =	vadd.s32 v1, v3  }
0x220: {  	[tilespmem:s25], [sflag:$0x3] =	stream.indirect_vreg.gather [hbm4b:s1+s4], $0x80, v4, vm0, $0xb8;
	[tilespmem:$0x10100] =	vst v63  }
0x221: {  	s9 =	simm.s32 $0x4900  }
0x222: {  	[tilespmem:s9], [sflag:$0x3] =	stream.indirect_vreg.gather [hbm4b:s5+s4], $0x80, v4, vm0, $0xb8;
	[tilespmem:$0x10100] =	vst v63  }
0x223: {  	s29 =	simm.s32 $0x5100  }
0x224: {  	[tilespmem:s29], [sflag:$0x3] =	stream.indirect_vreg.gather [hbm4b:s1+s4], $0x80, v3, vm0, $0xb8;
	[tilespmem:$0x10100] =	vst v63  }
0x225: {  	s12 =	simm.s32 $0x5900  }
0x226: {  	[tilespmem:s12], [sflag:$0x3] =	stream.indirect_vreg.gather [hbm4b:s5+s4], $0x80, v3, vm0, $0xb8;
	[tilespmem:$0x10100] =	vst v63  }
0x227: {  	v3 =	vld [tilespmem:$0xF0];
	_ =	sdelay $0x4  }
0x228: {  	v61 =	vshll.u32 v3, $0x2  }
0x229: {  	v3 =	vand.u32 $0x7, v3;
	v4 =	vand.u32 $0xFFFFFFE0, v61  }
0x22a: {  	v3 =	vor.u32 v3, v4  }
0x22b: {  	v4 =	vperm.xlane v3, v0;
	_ =	sdelay $0x1  }
0x22c: {  	v4 =	vadd.s32 v1, v4;
	_ =	sdelay $0x1  }
0x22d: {  	v3 =	vperm.xlane v3, v2;
	_ =	sdelay $0x1  }
0x22e: {  	s31 =	simm.s32 $0x6100;
	v3 =	vadd.s32 v1, v3  }
0x22f: {  	[tilespmem:s31], [sflag:$0x3] =	stream.indirect_vreg.gather [hbm4b:s1+s4], $0x80, v4, vm0, $0xb8;
	[tilespmem:$0x10100] =	vst v63  }
0x230: {  	s13 =	simm.s32 $0x6900  }
0x231: {  	[tilespmem:s13], [sflag:$0x3] =	stream.indirect_vreg.gather [hbm4b:s5+s4], $0x80, v4, vm0, $0xb8;
	[tilespmem:$0x10100] =	vst v63  }
0x232: {  	s11 =	simm.s32 $0x7100  }
0x233: {  	[tilespmem:s11], [sflag:$0x3] =	stream.indirect_vreg.gather [hbm4b:s1+s4], $0x80, v3, vm0, $0xb8;
	[tilespmem:$0x10100] =	vst v63  }
0x234: {  	s13 =	simm.s32 $0x7900  }
0x235: {  	[tilespmem:s13], [sflag:$0x3] =	stream.indirect_vreg.gather [hbm4b:s5+s4], $0x80, v3, vm0, $0xb8;
	[tilespmem:$0x10100] =	vst v63  }
0x236: {  	v3 =	vld [tilespmem:$0xE0];
	_ =	sdelay $0x4  }
0x237: {  	v62 =	vshll.u32 v3, $0x2  }
0x238: {  	v3 =	vand.u32 $0x7, v3;
	v4 =	vand.u32 $0xFFFFFFE0, v62  }
0x239: {  	v3 =	vor.u32 v3, v4  }
0x23a: {  	v4 =	vperm.xlane v3, v0;
	_ =	sdelay $0x1  }
0x23b: {  	v4 =	vadd.s32 v1, v4;
	_ =	sdelay $0x1  }
0x23c: {  	v3 =	vperm.xlane v3, v2;
	_ =	sdelay $0x1  }
0x23d: {  	v3 =	vadd.s32 v1, v3  }
0x23e: {  	[tilespmem:s10], [sflag:$0x4] =	stream.indirect_vreg.gather [hbm4b:s2+s4], $0x80, v4, vm0, $0xb8;
	[tilespmem:$0x10100] =	vst v63  }
0x23f: {  	s14 =	simm.s32 $0xC900  }
0x240: {  	[tilespmem:s14], [sflag:$0x4] =	stream.indirect_vreg.gather [hbm4b:s6+s4], $0x80, v4, vm0, $0xb8;
	[tilespmem:$0x10100] =	vst v63  }
0x241: {  	s14 =	simm.s32 $0xD100  }
0x242: {  	[tilespmem:s14], [sflag:$0x4] =	stream.indirect_vreg.gather [hbm4b:s2+s4], $0x80, v3, vm0, $0xb8;
	[tilespmem:$0x10100] =	vst v63  }
0x243: {  	s15 =	simm.s32 $0xD900  }
0x244: {  	[tilespmem:s15], [sflag:$0x4] =	stream.indirect_vreg.gather [hbm4b:s6+s4], $0x80, v3, vm0, $0xb8;
	[tilespmem:$0x10100] =	vst v63  }
0x245: {  	v3 =	vld [tilespmem:$0xF0];
	_ =	sdelay $0x4  }
0x246: {  	v63 =	vshll.u32 v3, $0x2  }
0x247: {  	v3 =	vand.u32 $0x7, v3;
	v4 =	vand.u32 $0xFFFFFFE0, v63  }
0x248: {  	v3 =	vor.u32 v3, v4  }
0x249: {  	v4 =	vperm.xlane v3, v0;
	_ =	sdelay $0x1  }
0x24a: {  	v4 =	vadd.s32 v1, v4;
	_ =	sdelay $0x1  }
0x24b: {  	v3 =	vperm.xlane v3, v2;
	_ =	sdelay $0x1  }
0x24c: {  	s16 =	simm.s32 $0xE100;
	v3 =	vadd.s32 v1, v3  }
0x24d: {  	[tilespmem:s16], [sflag:$0x4] =	stream.indirect_vreg.gather [hbm4b:s2+s4], $0x80, v4, vm0, $0xb8;
	[tilespmem:$0x10100] =	vst v63  }
0x24e: {  	s18 =	simm.s32 $0xE900  }
0x24f: {  	[tilespmem:s18], [sflag:$0x4] =	stream.indirect_vreg.gather [hbm4b:s6+s4], $0x80, v4, vm0, $0xb8;
	[tilespmem:$0x10100] =	vst v63  }
0x250: {  	s23 =	simm.s32 $0xF100  }
0x251: {  	[tilespmem:s23], [sflag:$0x4] =	stream.indirect_vreg.gather [hbm4b:s2+s4], $0x80, v3, vm0, $0xb8;
	[tilespmem:$0x10100] =	vst v63  }
0x252: {  	s24 =	simm.s32 $0xF900  }
0x253: {  	[tilespmem:s24], [sflag:$0x4] =	stream.indirect_vreg.gather [hbm4b:s6+s4], $0x80, v3, vm0, $0xb8;
	[tilespmem:$0x10100] =	vst v63  }
0x254: {  	_ =	swait.ge [sflag:s19], $0x4000  }
0x255: {  	[sflag:s19] =	ssyncset.done $0x0  }
0x256: {  	[sflag:s19] =	ssyncadd.s32 $0xFFFFC000  }
0x257: {  	_ =	swait.ge [sflag:s20], $0x4000  }
0x258: {  	[sflag:s20] =	ssyncset.done $0x0  }
0x259: {  	s26 =	rddreg [dreg:$0x13];
	[sflag:s20] =	ssyncadd.s32 $0xFFFFC000  }
0x25a: {  	[hbm4b:s26+s4] =	stream.linear.scatter [tilespmem:s30], [sflag:$0x5], $0x4000, $0x38;
	[tilespmem:$0x10100] =	vst v63  }
0x25b: {  	_ =	swait.ge [sflag:s8], $0x4000  }
0x25c: {  	[sflag:s8] =	ssyncset.done $0x0  }
0x25d: {  	s28 =	rddreg [dreg:$0x14];
	[sflag:s8] =	ssyncadd.s32 $0xFFFFC000  }
0x25e: {  	[hbm4b:s28+s4] =	stream.linear.scatter [tilespmem:s17], [sflag:$0x5], $0x4000, $0x38;
	[tilespmem:$0x10100] =	vst v63  }
0x25f: {  	_ =	swait.ge [sflag:s8], $0x4000  }
0x260: {  	[sflag:s8] =	ssyncset.done $0x0  }
0x261: {  	[sflag:s8] =	ssyncadd.s32 $0xFFFFC000  }
0x262: {  	_ =	swait.ge [sflag:s21], $0x4000  }
0x263: {  	[sflag:s21] =	ssyncset.done $0x0  }
0x264: {  	[sflag:s21] =	ssyncadd.s32 $0xFFFFC000  }
0x265: {  	_ =	swait.ge [sflag:s22], $0x4000  }
0x266: {  	[sflag:s22] =	ssyncset.done $0x0  }
0x267: {  	s29 =	rddreg [dreg:$0x15];
	[sflag:s22] =	ssyncadd.s32 $0xFFFFC000  }
0x268: {  	[hbm4b:s29+s4] =	stream.linear.scatter [tilespmem:s25], [sflag:$0x5], $0x4000, $0x38;
	[tilespmem:$0x10100] =	vst v63  }
0x269: {  	_ =	swait.ge [sflag:s8], $0x4000  }
0x26a: {  	p0 =	sne.s32 s7, $0x1;
	[sflag:s8] =	ssyncset.done $0x0  }
.Ltmp0:
0x26b: {  	s31 =	rddreg [dreg:$0x16];
	[sflag:s8] =	ssyncadd.s32 $0xFFFFC000;
	(pc) =	sbr.rel @p0 .LBB2_1-.Ltmp0, $4  }
0x26c: {  	[hbm4b:s31+s4] =	stream.linear.scatter [tilespmem:s10], [sflag:$0x5], $0x4000, $0x38;
	[tilespmem:$0x10100] =	vst v63  }
0x26d: {  	_ =	swait.ge [sflag:s8], $0x4000  }
0x26e: {  	[sflag:s8] =	ssyncset.done $0x0  }
0x26f: {  	s7 =	sadd.s32 $0xFFFFFFFF, s7;
	[sflag:s8] =	ssyncadd.s32 $0xFFFFC000  }
0x270: {  	_ =	sfence.sel $0x180000  }
0x271: {  	[bflag:$0x0] =	sbarrier.arrive $0xFFFF  }
0x272: {  	_ =	strace $0x90000047  }
0x273: {  	s0 =	stileid.u32;
	[bflag:$0x2] =	sbarrier.arrive $0xFFFF  }
0x274: {  	p0 =	sne.s32 s0, $0x0;
	s0 =	rddreg [dreg:$0x5]  }
0x275: {  	s0 =	sadd.s32 @!p0 $0x100000, s0  }
0x276: {  	[sflag:s0] =	ssyncadd.tile.s32 @!p0 $0x1;
	_ =	shalt  }
.Lfunc_end2:
_tile_overlayer_lowered:
.L_overlay_start_2:
0x277: {  	(tag) =	ssettag $0x2  }
0x278: {  	s0 =	rddreg [dreg:$0x0];
	s2 =	stileid.u32  }
0x279: {  	s1 =	rddreg [dreg:$0x1];
	p0 =	sne.s32 s2, $0x0  }
0x27a: {  	s3 =	rddreg [dreg:$0x2];
	[bflag:$0x3] =	sbarrier.arrive $0xFFFF;
	s2 =	simm.s32 @!p0 $0x1C05  }
0x27b: {  	[timem:s3], [sflag:s2] =	dma.local @!p0 [hbm:s0], s1  }
0x27c: {  	s0 =	simm.s32 @!p0 $0x5  }
0x27d: {  	_ =	swait.ge @!p0 [sflag:s0], s1  }
0x27e: {  	s1 =	ssub.s32 @!p0 $0x0, s1;
	[sflag:s0] =	ssyncset.done @!p0 $0x0  }
0x27f: {  	[sflag:s0] =	ssyncadd.s32 @!p0 s1  }
0x280: {  	[bflag:$0x3] =	sbarrier.arrive $0xFFFF  }
0x281: {  	_ =	shalt  }

</sc_bundles>
